<compile_context>
chip_gen: v7x
topology: tpu7x:2x2x1
jax: 0.10.2.dev20260603
libtpu: 0.0.44.dev20260713+nightly
codegen_flags: <defaults>
</compile_context>

<pallas_src>
import dataclasses
import functools

import jax
import jax.numpy as jnp
from jax import lax
from jax.experimental import pallas as pl
from jax.experimental.pallas import tpu as pltpu
from jax.experimental.pallas import tpu_sc as plsc

_LANES = 16
_NSUB = 16


def _pred_body(wpt_ref, c_ref, o_ref):
    o_ref[...] = lax.dot_general(
        wpt_ref[...],
        c_ref[...],
        (((1,), (1,)), ((), ())),
        preferred_element_type=jnp.float32,
    )


def _router_body(
    n_tok, n_e, n_ee,
    pred_hbm, o_hbm,
    pred_v, max_v, idx_v, shmax, shidx, loc_max, loc_idx, out_v,
):
    cid = lax.axis_index("c")
    sid = lax.axis_index("s")
    cpr = _NSUB // n_e
    cols = n_tok // cpr

    @pl.when(cid == 0)
    def _():
        row = sid // cpr
        cbase = (sid % cpr) * cols
        pltpu.sync_copy(pred_hbm.at[row, pl.ds(cbase, cols)], pred_v)
        max_v[...] = jnp.full((_LANES,), -jnp.inf, jnp.float32)
        idx_v[...] = jnp.full((_LANES,), 0, jnp.int32)

        @pl.loop(0, cols // _LANES)
        def _(c):
            v = pred_v[pl.ds(c * _LANES, _LANES)]
            pos = (lax.iota(jnp.int32, _LANES) + (cbase + c * _LANES)) * n_e + row
            cur = max_v[...]
            take = v > cur
            idx_v[...] = jnp.where(take, pos, idx_v[...])
            max_v[...] = jnp.where(take, v, cur)

        pltpu.sync_copy(max_v, shmax.at[sid])
        pltpu.sync_copy(idx_v, shidx.at[sid])

    plsc.subcore_barrier()

    @pl.when(jnp.logical_and(cid == 0, sid == 0))
    def _():
        pltpu.sync_copy(shmax, loc_max)
        pltpu.sync_copy(shidx, loc_idx)
        cur = loc_max[0]
        cidx = loc_idx[0]
        for w in range(1, _NSUB):
            v = loc_max[w]
            iv = loc_idx[w]
            take = (v > cur) | ((v == cur) & (iv < cidx))
            cidx = jnp.where(take, iv, cidx)
            cur = jnp.where(take, v, cur)
        max_v[...] = cur
        idx_v[...] = cidx

        m = jnp.max(max_v[...])
        cand = jnp.where(max_v[...] == m, idx_v[...], jnp.int32(n_tok * n_e))
        flat_idx = jnp.min(cand)
        expert = jnp.minimum(flat_idx, jnp.int32(n_ee - 1)) // jnp.int32(n_e)
        out_v[...] = jnp.full((_LANES,), 0, jnp.int32) + expert
        pltpu.sync_copy(out_v, o_hbm)


def _expert_body(eidx_ref, x_ref, w_ref, o_ref):
    del eidx_ref
    o_ref[...] = jnp.dot(x_ref[...], w_ref[0], preferred_element_type=jnp.float32)


def kernel(inputs, condition, Wp, bp, We, be):
    n, d = inputs.shape
    e = Wp.shape[1]

    bn1 = 1024
    pred_t = pl.pallas_call(
        _pred_body,
        grid=(n // bn1,),
        in_specs=[
            pl.BlockSpec((e, d), lambda i: (0, 0)),
            pl.BlockSpec((bn1, d), lambda i: (i, 0)),
        ],
        out_specs=pl.BlockSpec((e, bn1), lambda i: (0, i)),
        out_shape=jax.ShapeDtypeStruct((e, n), jnp.float32),
    )(jnp.swapaxes(Wp, 0, 1), condition)

    mesh = plsc.VectorSubcoreMesh(core_axis_name="c", subcore_axis_name="s")
    cp = pltpu.CompilerParams()
    if "needs_layout_passes" in pltpu.CompilerParams.__dataclass_fields__:
        cp = dataclasses.replace(cp, needs_layout_passes=False)
    router = pl.kernel(
        functools.partial(_router_body, n, e, e * e),
        out_type=jax.ShapeDtypeStruct((_LANES,), jnp.int32),
        mesh=mesh,
        scratch_types=[
            pltpu.VMEM((n * e // _NSUB,), jnp.float32),
            pltpu.VMEM((_LANES,), jnp.float32),
            pltpu.VMEM((_LANES,), jnp.int32),
            pltpu.VMEM_SHARED((_NSUB, _LANES), jnp.float32),
            pltpu.VMEM_SHARED((_NSUB, _LANES), jnp.int32),
            pltpu.VMEM((_NSUB, _LANES), jnp.float32),
            pltpu.VMEM((_NSUB, _LANES), jnp.int32),
            pltpu.VMEM((_LANES,), jnp.int32),
        ],
        compiler_params=cp,
    )
    expert_vec = router(pred_t)

    bn = 1024
    grid_spec = pltpu.PrefetchScalarGridSpec(
        num_scalar_prefetch=1,
        grid=(n // bn,),
        in_specs=[
            pl.BlockSpec((bn, d), lambda i, eidx: (i, 0)),
            pl.BlockSpec((1, d, d), lambda i, eidx: (eidx[0], 0, 0)),
        ],
        out_specs=pl.BlockSpec((bn, d), lambda i, eidx: (i, 0)),
    )
    result = pl.pallas_call(
        _expert_body,
        grid_spec=grid_spec,
        out_shape=jax.ShapeDtypeStruct((n, d), jnp.float32),
    )(expert_vec, inputs, We)
    return result

# --- scband reference (transcript-rebuilt; emitter-appended) ---
"""Pipeline reference for scband-router-8572754723466 (READ-ONLY COPY).

The authoritative reference and input builder live on the scoring server;
editing this copy changes nothing except your own understanding.
"""

import jax, jax.numpy as jnp
import numpy as np

N, D, E = 2048, 768, 8

def setup_inputs(seed: int = 0) -> dict:
    key = jax.random.key(seed)
    ks = jax.random.split(key, 6)
    inputs = jax.random.normal(ks[0], (N, D), dtype=jnp.float32)
    condition = jax.random.normal(ks[1], (N, D), dtype=jnp.float32)
    # predictor = nn.Linear(D, E)
    Wp = jax.random.normal(ks[2], (D, E), dtype=jnp.float32) * (1.0 / np.sqrt(D))
    bp = jnp.zeros((E,), dtype=jnp.float32)
    # experts = [nn.Linear(D, D) for _ in range(E)]
    We = jax.random.normal(ks[3], (E, D, D), dtype=jnp.float32) * (1.0 / np.sqrt(D))
    be = jnp.zeros((E, D), dtype=jnp.float32)
    return {"inputs": inputs, "condition": condition, "Wp": Wp, "bp": bp, "We": We, "be": be}

def reference(inputs, condition, Wp, bp, We, be):
    # predictor forward
    prediction = condition @ Wp + bp  # [N, E]
    # straight-through gradient estimator: replace_gradient(ones, prediction)
    # forward value = ones, gradient flows to prediction
    multiply = prediction + jax.lax.stop_gradient(jnp.ones_like(prediction) - prediction)  # [N, E]
    multiply_t = jnp.transpose(multiply, (1, 0))[:, :, None]  # [E, N, 1]
    n_experts = We.shape[0]
    parts = []
    for i in range(n_experts):
        eo = inputs @ We[i] + be[i]  # [N, D]
        # multiply (full [E,N,1]) times each expert output [1,N,D] -> [E,N,D]
        parts.append(multiply_t * eo[None])
    combined = jnp.concatenate(parts, axis=0)  # [E*E, N, D] (faithful to torch cat)
    index = jnp.argmax(prediction)  # flat argmax over [N, E], scalar (as in torch)
    ind = jnp.arange(prediction.shape[0])
    # advanced indexing: scalar index broadcast with ind -> [N, D]
    # (JAX clamps out-of-bounds indices, matching a runnable interpretation of the torch code)
    result = combined[index, ind]
    return result

if __name__ == "__main__":
    import jax
    _d = setup_inputs()
    print(jax.jit(kernel)(*tuple(_d.values())))

</pallas_src>

<mosaic_0001>
#map = affine_map<(d0, d1) -> (0, 0)>
#map1 = affine_map<(d0, d1) -> (0)>
module attributes {stable_mosaic.version = 14 : i64} {
  func.func @_router_body(%arg0: i32, %arg1: i32, %arg2: memref<8x2048xf32, #tpu.memory_space<hbm>>, %arg3: memref<16xi32, #tpu.memory_space<hbm>>, %arg4: memref<1024xf32, #tpu.memory_space<vmem>>, %arg5: memref<16xf32, #tpu.memory_space<vmem>>, %arg6: memref<16xi32, #tpu.memory_space<vmem>>, %arg7: memref<16x16xf32, #tpu.memory_space<vmem_shared>>, %arg8: memref<16x16xi32, #tpu.memory_space<vmem_shared>>, %arg9: memref<16x16xf32, #tpu.memory_space<vmem>>, %arg10: memref<16x16xi32, #tpu.memory_space<vmem>>, %arg11: memref<16xi32, #tpu.memory_space<vmem>>) attributes {dimension_semantics = [#tpu.dimension_semantics<core_parallel>, #tpu.dimension_semantics<subcore_parallel>], iteration_bounds = array<i64: 2, 16>, scalar_prefetch = 0 : i64, scratch_operands = 8 : i64, tpu.core_type = #tpu.core_type<sc_vector_subcore>, window_params = [{transform_indices = #map}, {transform_indices = #map1}]} {
    %eq3A = arith.constant 0 : i32
    %eq3A_0 = arith.cmpi eq, %arg0, %eq3A : i32
    %convert_element_type3A = arith.extui %eq3A_0 : i1 to i32
    %cond3A = arith.constant 0 : i32
    %cond3A_1 = arith.cmpi ne, %convert_element_type3A, %cond3A : i32
    scf.if %cond3A_1 {
      %jit3A = arith.constant 2 : i32
      %div3A = arith.divsi %arg1, %jit3A : i32
      %sign3A = arith.constant 0 : i32
      %sign3A_9 = arith.cmpi sgt, %arg1, %sign3A : i32
      %sign3A_10 = arith.extui %sign3A_9 : i1 to i32
      %sign3A_11 = arith.constant 0 : i32
      %sign3A_12 = arith.cmpi slt, %arg1, %sign3A_11 : i32
      %sign3A_13 = arith.extui %sign3A_12 : i1 to i32
      %sign3A_14 = arith.subi %sign3A_10, %sign3A_13 : i32
      %sign3A_15 = arith.constant 0 : i32
      %sign3A_16 = arith.cmpi sgt, %jit3A, %sign3A_15 : i32
      %sign3A_17 = arith.extui %sign3A_16 : i1 to i32
      %sign3A_18 = arith.constant 0 : i32
      %sign3A_19 = arith.cmpi slt, %jit3A, %sign3A_18 : i32
      %sign3A_20 = arith.extui %sign3A_19 : i1 to i32
      %sign3A_21 = arith.subi %sign3A_17, %sign3A_20 : i32
      %ne3A = arith.cmpi ne, %sign3A_14, %sign3A_21 : i32
      %rem3A = arith.remsi %arg1, %jit3A : i32
      %ne3A_22 = arith.constant 0 : i32
      %ne3A_23 = arith.cmpi ne, %rem3A, %ne3A_22 : i32
      %and3A_24 = arith.andi %ne3A, %ne3A_23 : i1
      %sub3A = arith.constant 1 : i32
      %sub3A_25 = arith.subi %div3A, %sub3A : i32
      %select_n3A = arith.select %and3A_24, %sub3A_25, %div3A : i32
      %jit3A_26 = arith.constant 2 : i32
      %eq3A_27 = arith.constant 0 : i32
      %eq3A_28 = arith.cmpi eq, %jit3A_26, %eq3A_27 : i32
      %jit3A_29 = arith.constant 1 : i32
      %select_n3A_30 = arith.select %eq3A_28, %jit3A_29, %jit3A_26 : i32
      %rem3A_31 = arith.remsi %arg1, %select_n3A_30 : i32
      %ne3A_32 = arith.constant 0 : i32
      %ne3A_33 = arith.cmpi ne, %rem3A_31, %ne3A_32 : i32
      %lt3A = arith.constant 0 : i32
      %lt3A_34 = arith.cmpi slt, %rem3A_31, %lt3A : i32
      %lt3A_35 = arith.constant 0 : i32
      %lt3A_36 = arith.cmpi slt, %select_n3A_30, %lt3A_35 : i32
      %ne3A_37 = arith.xori %lt3A_34, %lt3A_36 : i1
      %and3A_38 = arith.andi %ne3A_37, %ne3A_33 : i1
      %add3A = arith.addi %rem3A_31, %select_n3A_30 : i32
      %select_n3A_39 = arith.select %and3A_38, %add3A, %rem3A_31 : i32
      %mul3A = arith.constant 1024 : i32
      %mul3A_40 = arith.muli %select_n3A_39, %mul3A : i32
      "tpu.region"() ({
        %run_scoped3A = tpu.sem_alloc : memref<!tpu.dma_semaphore, #tpu.memory_space<semaphore_mem>>
        %dma_start3A = tpu.memref_slice %arg2[%select_n3A, %mul3A_40] : memref<8x2048xf32, #tpu.memory_space<hbm>> -> memref<1x1024xf32, #tpu.memory_space<hbm>>
        %dma_start3A_51 = tpu.memref_squeeze %dma_start3A : memref<1x1024xf32, #tpu.memory_space<hbm>> -> memref<1024xf32, #tpu.memory_space<hbm>>
        %dma_start3A_52 = tpu.memref_slice %arg2[%select_n3A, %mul3A_40] : memref<8x2048xf32, #tpu.memory_space<hbm>> -> memref<1x1024xf32, #tpu.memory_space<hbm>>
        %dma_start3A_53 = tpu.memref_squeeze %dma_start3A_52 : memref<1x1024xf32, #tpu.memory_space<hbm>> -> memref<1024xf32, #tpu.memory_space<hbm>>
        tpu.enqueue_dma source(%dma_start3A_53 : memref<1024xf32, #tpu.memory_space<hbm>>) target(%arg4 : memref<1024xf32, #tpu.memory_space<vmem>>) target_semaphore(%run_scoped3A : memref<!tpu.dma_semaphore, #tpu.memory_space<semaphore_mem>>)
        %dma_wait3A = tpu.memref_slice %arg2[%select_n3A, %mul3A_40] : memref<8x2048xf32, #tpu.memory_space<hbm>> -> memref<1x1024xf32, #tpu.memory_space<hbm>>
        %dma_wait3A_54 = tpu.memref_squeeze %dma_wait3A : memref<1x1024xf32, #tpu.memory_space<hbm>> -> memref<1024xf32, #tpu.memory_space<hbm>>
        %dma_wait3A_55 = tpu.memref_slice %arg2[%select_n3A, %mul3A_40] : memref<8x2048xf32, #tpu.memory_space<hbm>> -> memref<1x1024xf32, #tpu.memory_space<hbm>>
        %dma_wait3A_56 = tpu.memref_squeeze %dma_wait3A_55 : memref<1x1024xf32, #tpu.memory_space<hbm>> -> memref<1024xf32, #tpu.memory_space<hbm>>
        tpu.wait_dma2 semaphore(%run_scoped3A : memref<!tpu.dma_semaphore, #tpu.memory_space<semaphore_mem>>) src(%dma_wait3A_56 : memref<1024xf32, #tpu.memory_space<hbm>>) dst(%arg4 : memref<1024xf32, #tpu.memory_space<vmem>>)
        tpu.yield
      }) : () -> ()
      %broadcast_in_dim3A = arith.constant 0xFF800000 : f32
      %broadcast_in_dim3A_41 = vector.broadcast %broadcast_in_dim3A : f32 to vector<16xf32>
      %swap3A = arith.constant 0 : index
      %swap3A_42 = tpu.vector_load %arg5[%swap3A] {strides = array<i32>} : memref<16xf32, #tpu.memory_space<vmem>>, vector<16xf32>,
      tpu.vector_store %arg5[%swap3A], %broadcast_in_dim3A_41 {strides = array<i32>} : memref<16xf32, #tpu.memory_space<vmem>>, vector<16xf32>,
      %broadcast_in_dim3A_43 = arith.constant 0 : i32
      %broadcast_in_dim3A_44 = vector.broadcast %broadcast_in_dim3A_43 : i32 to vector<16xi32>
      %swap3A_45 = arith.constant 0 : index
      %swap3A_46 = tpu.vector_load %arg6[%swap3A_45] {strides = array<i32>} : memref<16xi32, #tpu.memory_space<vmem>>, vector<16xi32>,
      tpu.vector_store %arg6[%swap3A_45], %broadcast_in_dim3A_44 {strides = array<i32>} : memref<16xi32, #tpu.memory_space<vmem>>, vector<16xi32>,
      %scan3A = arith.constant 0 : i32
      %scan3A_47 = arith.constant 64 : i32
      %scan3A_48 = arith.addi %scan3A, %scan3A_47 : i32
      %scan3A_49 = arith.constant 1 : i32
      scf.for %scan3A_51 = %scan3A to %scan3A_48 step %scan3A_49  : i32 {
        %mul3A_52 = arith.constant 1 : i32
        %mul3A_53 = arith.muli %scan3A_51, %mul3A_52 : i32
        %add3A_54 = arith.constant 0 : i32
        %add3A_55 = arith.addi %add3A_54, %mul3A_53 : i32
        %mul3A_56 = arith.constant 16 : i32
        %mul3A_57 = arith.muli %add3A_55, %mul3A_56 : i32
        %get3A = arith.index_cast %mul3A_57 : i32 to index
        %get3A_58 = tpu.vector_load %arg4[%get3A] {strides = array<i32>} : memref<1024xf32, #tpu.memory_space<vmem>>, vector<16xf32>,
        %iota3A = tpu.iota {dimensions = array<i32: 0>} : vector<16xi32>
        %mul3A_59 = arith.constant 16 : i32
        %mul3A_60 = arith.muli %add3A_55, %mul3A_59 : i32
        %add3A_61 = arith.addi %mul3A_40, %mul3A_60 : i32
        %add3A_62 = vector.broadcast %add3A_61 : i32 to vector<16xi32>
        %add3A_63 = arith.addi %iota3A, %add3A_62 : vector<16xi32>
        %mul3A_64 = arith.constant 8 : i32
        %mul3A_65 = vector.broadcast %mul3A_64 : i32 to vector<16xi32>
        %mul3A_66 = arith.muli %add3A_63, %mul3A_65 : vector<16xi32>
        %add3A_67 = vector.broadcast %select_n3A : i32 to vector<16xi32>
        %add3A_68 = arith.addi %mul3A_66, %add3A_67 : vector<16xi32>
        %get3A_69 = arith.constant 0 : index
        %get3A_70 = tpu.vector_load %arg5[%get3A_69] {strides = array<i32>} : memref<16xf32, #tpu.memory_space<vmem>>, vector<16xf32>,
        %gt3A = arith.cmpf ogt, %get3A_58, %get3A_70 : vector<16xf32>
        %get3A_71 = arith.constant 0 : index
        %get3A_72 = tpu.vector_load %arg6[%get3A_71] {strides = array<i32>} : memref<16xi32, #tpu.memory_space<vmem>>, vector<16xi32>,
        %select_n3A_73 = arith.select %gt3A, %add3A_68, %get3A_72 : vector<16xi1>, vector<16xi32>
        %swap3A_74 = arith.constant 0 : index
        %swap3A_75 = tpu.vector_load %arg6[%swap3A_74] {strides = array<i32>} : memref<16xi32, #tpu.memory_space<vmem>>, vector<16xi32>,
        tpu.vector_store %arg6[%swap3A_74], %select_n3A_73 {strides = array<i32>} : memref<16xi32, #tpu.memory_space<vmem>>, vector<16xi32>,
        %select_n3A_76 = arith.select %gt3A, %get3A_58, %get3A_70 : vector<16xi1>, vector<16xf32>
        %swap3A_77 = arith.constant 0 : index
        %swap3A_78 = tpu.vector_load %arg5[%swap3A_77] {strides = array<i32>} : memref<16xf32, #tpu.memory_space<vmem>>, vector<16xf32>,
        tpu.vector_store %arg5[%swap3A_77], %select_n3A_76 {strides = array<i32>} : memref<16xf32, #tpu.memory_space<vmem>>, vector<16xf32>,
      }
      %scan3A_50 = arith.constant 64 : i32
      "tpu.region"() ({
        %run_scoped3A = tpu.sem_alloc : memref<!tpu.dma_semaphore, #tpu.memory_space<semaphore_mem>>
        %dma_start3A = arith.constant 0 : i32
        %dma_start3A_51 = tpu.memref_slice %arg7[%arg1, %dma_start3A] : memref<16x16xf32, #tpu.memory_space<vmem_shared>> -> memref<1x16xf32, #tpu.memory_space<vmem_shared>>
        %dma_start3A_52 = tpu.memref_squeeze %dma_start3A_51 : memref<1x16xf32, #tpu.memory_space<vmem_shared>> -> memref<16xf32, #tpu.memory_space<vmem_shared>>
        %dma_start3A_53 = arith.constant 0 : i32
        %dma_start3A_54 = tpu.memref_slice %arg7[%arg1, %dma_start3A_53] : memref<16x16xf32, #tpu.memory_space<vmem_shared>> -> memref<1x16xf32, #tpu.memory_space<vmem_shared>>
        %dma_start3A_55 = tpu.memref_squeeze %dma_start3A_54 : memref<1x16xf32, #tpu.memory_space<vmem_shared>> -> memref<16xf32, #tpu.memory_space<vmem_shared>>
        tpu.enqueue_dma source(%arg5 : memref<16xf32, #tpu.memory_space<vmem>>) target(%dma_start3A_55 : memref<16xf32, #tpu.memory_space<vmem_shared>>) target_semaphore(%run_scoped3A : memref<!tpu.dma_semaphore, #tpu.memory_space<semaphore_mem>>)
        %dma_wait3A = arith.constant 0 : i32
        %dma_wait3A_56 = tpu.memref_slice %arg7[%arg1, %dma_wait3A] : memref<16x16xf32, #tpu.memory_space<vmem_shared>> -> memref<1x16xf32, #tpu.memory_space<vmem_shared>>
        %dma_wait3A_57 = tpu.memref_squeeze %dma_wait3A_56 : memref<1x16xf32, #tpu.memory_space<vmem_shared>> -> memref<16xf32, #tpu.memory_space<vmem_shared>>
        %dma_wait3A_58 = arith.constant 0 : i32
        %dma_wait3A_59 = tpu.memref_slice %arg7[%arg1, %dma_wait3A_58] : memref<16x16xf32, #tpu.memory_space<vmem_shared>> -> memref<1x16xf32, #tpu.memory_space<vmem_shared>>
        %dma_wait3A_60 = tpu.memref_squeeze %dma_wait3A_59 : memref<1x16xf32, #tpu.memory_space<vmem_shared>> -> memref<16xf32, #tpu.memory_space<vmem_shared>>
        tpu.wait_dma2 semaphore(%run_scoped3A : memref<!tpu.dma_semaphore, #tpu.memory_space<semaphore_mem>>) src(%arg5 : memref<16xf32, #tpu.memory_space<vmem>>) dst(%dma_wait3A_60 : memref<16xf32, #tpu.memory_space<vmem_shared>>)
        tpu.yield
      }) : () -> ()
      "tpu.region"() ({
        %run_scoped3A = tpu.sem_alloc : memref<!tpu.dma_semaphore, #tpu.memory_space<semaphore_mem>>
        %dma_start3A = arith.constant 0 : i32
        %dma_start3A_51 = tpu.memref_slice %arg8[%arg1, %dma_start3A] : memref<16x16xi32, #tpu.memory_space<vmem_shared>> -> memref<1x16xi32, #tpu.memory_space<vmem_shared>>
        %dma_start3A_52 = tpu.memref_squeeze %dma_start3A_51 : memref<1x16xi32, #tpu.memory_space<vmem_shared>> -> memref<16xi32, #tpu.memory_space<vmem_shared>>
        %dma_start3A_53 = arith.constant 0 : i32
        %dma_start3A_54 = tpu.memref_slice %arg8[%arg1, %dma_start3A_53] : memref<16x16xi32, #tpu.memory_space<vmem_shared>> -> memref<1x16xi32, #tpu.memory_space<vmem_shared>>
        %dma_start3A_55 = tpu.memref_squeeze %dma_start3A_54 : memref<1x16xi32, #tpu.memory_space<vmem_shared>> -> memref<16xi32, #tpu.memory_space<vmem_shared>>
        tpu.enqueue_dma source(%arg6 : memref<16xi32, #tpu.memory_space<vmem>>) target(%dma_start3A_55 : memref<16xi32, #tpu.memory_space<vmem_shared>>) target_semaphore(%run_scoped3A : memref<!tpu.dma_semaphore, #tpu.memory_space<semaphore_mem>>)
        %dma_wait3A = arith.constant 0 : i32
        %dma_wait3A_56 = tpu.memref_slice %arg8[%arg1, %dma_wait3A] : memref<16x16xi32, #tpu.memory_space<vmem_shared>> -> memref<1x16xi32, #tpu.memory_space<vmem_shared>>
        %dma_wait3A_57 = tpu.memref_squeeze %dma_wait3A_56 : memref<1x16xi32, #tpu.memory_space<vmem_shared>> -> memref<16xi32, #tpu.memory_space<vmem_shared>>
        %dma_wait3A_58 = arith.constant 0 : i32
        %dma_wait3A_59 = tpu.memref_slice %arg8[%arg1, %dma_wait3A_58] : memref<16x16xi32, #tpu.memory_space<vmem_shared>> -> memref<1x16xi32, #tpu.memory_space<vmem_shared>>
        %dma_wait3A_60 = tpu.memref_squeeze %dma_wait3A_59 : memref<1x16xi32, #tpu.memory_space<vmem_shared>> -> memref<16xi32, #tpu.memory_space<vmem_shared>>
        tpu.wait_dma2 semaphore(%run_scoped3A : memref<!tpu.dma_semaphore, #tpu.memory_space<semaphore_mem>>) src(%arg6 : memref<16xi32, #tpu.memory_space<vmem>>) dst(%dma_wait3A_60 : memref<16xi32, #tpu.memory_space<vmem_shared>>)
        tpu.yield
      }) : () -> ()
    } else {
    }
    %barrier3A = arith.constant 0 : index
    tpu.barrier barrier_id(%barrier3A)
    %eq3A_2 = arith.constant 0 : i32
    %eq3A_3 = arith.cmpi eq, %arg0, %eq3A_2 : i32
    %eq3A_4 = arith.constant 0 : i32
    %eq3A_5 = arith.cmpi eq, %arg1, %eq3A_4 : i32
    %and3A = arith.andi %eq3A_3, %eq3A_5 : i1
    %convert_element_type3A_6 = arith.extui %and3A : i1 to i32
    %cond3A_7 = arith.constant 0 : i32
    %cond3A_8 = arith.cmpi ne, %convert_element_type3A_6, %cond3A_7 : i32
    scf.if %cond3A_8 {
      "tpu.region"() ({
        %run_scoped3A = tpu.sem_alloc : memref<!tpu.dma_semaphore, #tpu.memory_space<semaphore_mem>>
        tpu.enqueue_dma source(%arg7 : memref<16x16xf32, #tpu.memory_space<vmem_shared>>) target(%arg9 : memref<16x16xf32, #tpu.memory_space<vmem>>) target_semaphore(%run_scoped3A : memref<!tpu.dma_semaphore, #tpu.memory_space<semaphore_mem>>)
        tpu.wait_dma2 semaphore(%run_scoped3A : memref<!tpu.dma_semaphore, #tpu.memory_space<semaphore_mem>>) src(%arg7 : memref<16x16xf32, #tpu.memory_space<vmem_shared>>) dst(%arg9 : memref<16x16xf32, #tpu.memory_space<vmem>>)
        tpu.yield
      }) : () -> ()
      "tpu.region"() ({
        %run_scoped3A = tpu.sem_alloc : memref<!tpu.dma_semaphore, #tpu.memory_space<semaphore_mem>>
        tpu.enqueue_dma source(%arg8 : memref<16x16xi32, #tpu.memory_space<vmem_shared>>) target(%arg10 : memref<16x16xi32, #tpu.memory_space<vmem>>) target_semaphore(%run_scoped3A : memref<!tpu.dma_semaphore, #tpu.memory_space<semaphore_mem>>)
        tpu.wait_dma2 semaphore(%run_scoped3A : memref<!tpu.dma_semaphore, #tpu.memory_space<semaphore_mem>>) src(%arg8 : memref<16x16xi32, #tpu.memory_space<vmem_shared>>) dst(%arg10 : memref<16x16xi32, #tpu.memory_space<vmem>>)
        tpu.yield
      }) : () -> ()
      %get3A = arith.constant 0 : i32
      %get3A_9 = arith.index_cast %get3A : i32 to index
      %get3A_10 = arith.constant 0 : index
      %get3A_11 = tpu.vector_load %arg9[%get3A_9, %get3A_10] {strides = array<i32>} : memref<16x16xf32, #tpu.memory_space<vmem>>, vector<16xf32>,
      %get3A_12 = arith.constant 0 : i32
      %get3A_13 = arith.index_cast %get3A_12 : i32 to index
      %get3A_14 = arith.constant 0 : index
      %get3A_15 = tpu.vector_load %arg10[%get3A_13, %get3A_14] {strides = array<i32>} : memref<16x16xi32, #tpu.memory_space<vmem>>, vector<16xi32>,
      %get3A_16 = arith.constant 1 : i32
      %get3A_17 = arith.index_cast %get3A_16 : i32 to index
      %get3A_18 = arith.constant 0 : index
      %get3A_19 = tpu.vector_load %arg9[%get3A_17, %get3A_18] {strides = array<i32>} : memref<16x16xf32, #tpu.memory_space<vmem>>, vector<16xf32>,
      %get3A_20 = arith.constant 1 : i32
      %get3A_21 = arith.index_cast %get3A_20 : i32 to index
      %get3A_22 = arith.constant 0 : index
      %get3A_23 = tpu.vector_load %arg10[%get3A_21, %get3A_22] {strides = array<i32>} : memref<16x16xi32, #tpu.memory_space<vmem>>, vector<16xi32>,
      %gt3A = arith.cmpf ogt, %get3A_19, %get3A_11 : vector<16xf32>
      %eq3A_24 = arith.cmpf oeq, %get3A_19, %get3A_11 : vector<16xf32>
      %lt3A = arith.cmpi slt, %get3A_23, %get3A_15 : vector<16xi32>
      %and3A_25 = arith.andi %eq3A_24, %lt3A : vector<16xi1>
      %or3A = arith.ori %gt3A, %and3A_25 : vector<16xi1>
      %select_n3A = arith.select %or3A, %get3A_23, %get3A_15 : vector<16xi1>, vector<16xi32>
      %select_n3A_26 = arith.select %or3A, %get3A_19, %get3A_11 : vector<16xi1>, vector<16xf32>
      %get3A_27 = arith.constant 2 : i32
      %get3A_28 = arith.index_cast %get3A_27 : i32 to index
      %get3A_29 = arith.constant 0 : index
      %get3A_30 = tpu.vector_load %arg9[%get3A_28, %get3A_29] {strides = array<i32>} : memref<16x16xf32, #tpu.memory_space<vmem>>, vector<16xf32>,
      %get3A_31 = arith.constant 2 : i32
      %get3A_32 = arith.index_cast %get3A_31 : i32 to index
      %get3A_33 = arith.constant 0 : index
      %get3A_34 = tpu.vector_load %arg10[%get3A_32, %get3A_33] {strides = array<i32>} : memref<16x16xi32, #tpu.memory_space<vmem>>, vector<16xi32>,
      %gt3A_35 = arith.cmpf ogt, %get3A_30, %select_n3A_26 : vector<16xf32>
      %eq3A_36 = arith.cmpf oeq, %get3A_30, %select_n3A_26 : vector<16xf32>
      %lt3A_37 = arith.cmpi slt, %get3A_34, %select_n3A : vector<16xi32>
      %and3A_38 = arith.andi %eq3A_36, %lt3A_37 : vector<16xi1>
      %or3A_39 = arith.ori %gt3A_35, %and3A_38 : vector<16xi1>
      %select_n3A_40 = arith.select %or3A_39, %get3A_34, %select_n3A : vector<16xi1>, vector<16xi32>
      %select_n3A_41 = arith.select %or3A_39, %get3A_30, %select_n3A_26 : vector<16xi1>, vector<16xf32>
      %get3A_42 = arith.constant 3 : i32
      %get3A_43 = arith.index_cast %get3A_42 : i32 to index
      %get3A_44 = arith.constant 0 : index
      %get3A_45 = tpu.vector_load %arg9[%get3A_43, %get3A_44] {strides = array<i32>} : memref<16x16xf32, #tpu.memory_space<vmem>>, vector<16xf32>,
      %get3A_46 = arith.constant 3 : i32
      %get3A_47 = arith.index_cast %get3A_46 : i32 to index
      %get3A_48 = arith.constant 0 : index
      %get3A_49 = tpu.vector_load %arg10[%get3A_47, %get3A_48] {strides = array<i32>} : memref<16x16xi32, #tpu.memory_space<vmem>>, vector<16xi32>,
      %gt3A_50 = arith.cmpf ogt, %get3A_45, %select_n3A_41 : vector<16xf32>
      %eq3A_51 = arith.cmpf oeq, %get3A_45, %select_n3A_41 : vector<16xf32>
      %lt3A_52 = arith.cmpi slt, %get3A_49, %select_n3A_40 : vector<16xi32>
      %and3A_53 = arith.andi %eq3A_51, %lt3A_52 : vector<16xi1>
      %or3A_54 = arith.ori %gt3A_50, %and3A_53 : vector<16xi1>
      %select_n3A_55 = arith.select %or3A_54, %get3A_49, %select_n3A_40 : vector<16xi1>, vector<16xi32>
      %select_n3A_56 = arith.select %or3A_54, %get3A_45, %select_n3A_41 : vector<16xi1>, vector<16xf32>
      %get3A_57 = arith.constant 4 : i32
      %get3A_58 = arith.index_cast %get3A_57 : i32 to index
      %get3A_59 = arith.constant 0 : index
      %get3A_60 = tpu.vector_load %arg9[%get3A_58, %get3A_59] {strides = array<i32>} : memref<16x16xf32, #tpu.memory_space<vmem>>, vector<16xf32>,
      %get3A_61 = arith.constant 4 : i32
      %get3A_62 = arith.index_cast %get3A_61 : i32 to index
      %get3A_63 = arith.constant 0 : index
      %get3A_64 = tpu.vector_load %arg10[%get3A_62, %get3A_63] {strides = array<i32>} : memref<16x16xi32, #tpu.memory_space<vmem>>, vector<16xi32>,
      %gt3A_65 = arith.cmpf ogt, %get3A_60, %select_n3A_56 : vector<16xf32>
      %eq3A_66 = arith.cmpf oeq, %get3A_60, %select_n3A_56 : vector<16xf32>
      %lt3A_67 = arith.cmpi slt, %get3A_64, %select_n3A_55 : vector<16xi32>
      %and3A_68 = arith.andi %eq3A_66, %lt3A_67 : vector<16xi1>
      %or3A_69 = arith.ori %gt3A_65, %and3A_68 : vector<16xi1>
      %select_n3A_70 = arith.select %or3A_69, %get3A_64, %select_n3A_55 : vector<16xi1>, vector<16xi32>
      %select_n3A_71 = arith.select %or3A_69, %get3A_60, %select_n3A_56 : vector<16xi1>, vector<16xf32>
      %get3A_72 = arith.constant 5 : i32
      %get3A_73 = arith.index_cast %get3A_72 : i32 to index
      %get3A_74 = arith.constant 0 : index
      %get3A_75 = tpu.vector_load %arg9[%get3A_73, %get3A_74] {strides = array<i32>} : memref<16x16xf32, #tpu.memory_space<vmem>>, vector<16xf32>,
      %get3A_76 = arith.constant 5 : i32
      %get3A_77 = arith.index_cast %get3A_76 : i32 to index
      %get3A_78 = arith.constant 0 : index
      %get3A_79 = tpu.vector_load %arg10[%get3A_77, %get3A_78] {strides = array<i32>} : memref<16x16xi32, #tpu.memory_space<vmem>>, vector<16xi32>,
      %gt3A_80 = arith.cmpf ogt, %get3A_75, %select_n3A_71 : vector<16xf32>
      %eq3A_81 = arith.cmpf oeq, %get3A_75, %select_n3A_71 : vector<16xf32>
      %lt3A_82 = arith.cmpi slt, %get3A_79, %select_n3A_70 : vector<16xi32>
      %and3A_83 = arith.andi %eq3A_81, %lt3A_82 : vector<16xi1>
      %or3A_84 = arith.ori %gt3A_80, %and3A_83 : vector<16xi1>
      %select_n3A_85 = arith.select %or3A_84, %get3A_79, %select_n3A_70 : vector<16xi1>, vector<16xi32>
      %select_n3A_86 = arith.select %or3A_84, %get3A_75, %select_n3A_71 : vector<16xi1>, vector<16xf32>
      %get3A_87 = arith.constant 6 : i32
      %get3A_88 = arith.index_cast %get3A_87 : i32 to index
      %get3A_89 = arith.constant 0 : index
      %get3A_90 = tpu.vector_load %arg9[%get3A_88, %get3A_89] {strides = array<i32>} : memref<16x16xf32, #tpu.memory_space<vmem>>, vector<16xf32>,
      %get3A_91 = arith.constant 6 : i32
      %get3A_92 = arith.index_cast %get3A_91 : i32 to index
      %get3A_93 = arith.constant 0 : index
      %get3A_94 = tpu.vector_load %arg10[%get3A_92, %get3A_93] {strides = array<i32>} : memref<16x16xi32, #tpu.memory_space<vmem>>, vector<16xi32>,
      %gt3A_95 = arith.cmpf ogt, %get3A_90, %select_n3A_86 : vector<16xf32>
      %eq3A_96 = arith.cmpf oeq, %get3A_90, %select_n3A_86 : vector<16xf32>
      %lt3A_97 = arith.cmpi slt, %get3A_94, %select_n3A_85 : vector<16xi32>
      %and3A_98 = arith.andi %eq3A_96, %lt3A_97 : vector<16xi1>
      %or3A_99 = arith.ori %gt3A_95, %and3A_98 : vector<16xi1>
      %select_n3A_100 = arith.select %or3A_99, %get3A_94, %select_n3A_85 : vector<16xi1>, vector<16xi32>
      %select_n3A_101 = arith.select %or3A_99, %get3A_90, %select_n3A_86 : vector<16xi1>, vector<16xf32>
      %get3A_102 = arith.constant 7 : i32
      %get3A_103 = arith.index_cast %get3A_102 : i32 to index
      %get3A_104 = arith.constant 0 : index
      %get3A_105 = tpu.vector_load %arg9[%get3A_103, %get3A_104] {strides = array<i32>} : memref<16x16xf32, #tpu.memory_space<vmem>>, vector<16xf32>,
      %get3A_106 = arith.constant 7 : i32
      %get3A_107 = arith.index_cast %get3A_106 : i32 to index
      %get3A_108 = arith.constant 0 : index
      %get3A_109 = tpu.vector_load %arg10[%get3A_107, %get3A_108] {strides = array<i32>} : memref<16x16xi32, #tpu.memory_space<vmem>>, vector<16xi32>,
      %gt3A_110 = arith.cmpf ogt, %get3A_105, %select_n3A_101 : vector<16xf32>
      %eq3A_111 = arith.cmpf oeq, %get3A_105, %select_n3A_101 : vector<16xf32>
      %lt3A_112 = arith.cmpi slt, %get3A_109, %select_n3A_100 : vector<16xi32>
      %and3A_113 = arith.andi %eq3A_111, %lt3A_112 : vector<16xi1>
      %or3A_114 = arith.ori %gt3A_110, %and3A_113 : vector<16xi1>
      %select_n3A_115 = arith.select %or3A_114, %get3A_109, %select_n3A_100 : vector<16xi1>, vector<16xi32>
      %select_n3A_116 = arith.select %or3A_114, %get3A_105, %select_n3A_101 : vector<16xi1>, vector<16xf32>
      %get3A_117 = arith.constant 8 : i32
      %get3A_118 = arith.index_cast %get3A_117 : i32 to index
      %get3A_119 = arith.constant 0 : index
      %get3A_120 = tpu.vector_load %arg9[%get3A_118, %get3A_119] {strides = array<i32>} : memref<16x16xf32, #tpu.memory_space<vmem>>, vector<16xf32>,
      %get3A_121 = arith.constant 8 : i32
      %get3A_122 = arith.index_cast %get3A_121 : i32 to index
      %get3A_123 = arith.constant 0 : index
      %get3A_124 = tpu.vector_load %arg10[%get3A_122, %get3A_123] {strides = array<i32>} : memref<16x16xi32, #tpu.memory_space<vmem>>, vector<16xi32>,
      %gt3A_125 = arith.cmpf ogt, %get3A_120, %select_n3A_116 : vector<16xf32>
      %eq3A_126 = arith.cmpf oeq, %get3A_120, %select_n3A_116 : vector<16xf32>
      %lt3A_127 = arith.cmpi slt, %get3A_124, %select_n3A_115 : vector<16xi32>
      %and3A_128 = arith.andi %eq3A_126, %lt3A_127 : vector<16xi1>
      %or3A_129 = arith.ori %gt3A_125, %and3A_128 : vector<16xi1>
      %select_n3A_130 = arith.select %or3A_129, %get3A_124, %select_n3A_115 : vector<16xi1>, vector<16xi32>
      %select_n3A_131 = arith.select %or3A_129, %get3A_120, %select_n3A_116 : vector<16xi1>, vector<16xf32>
      %get3A_132 = arith.constant 9 : i32
      %get3A_133 = arith.index_cast %get3A_132 : i32 to index
      %get3A_134 = arith.constant 0 : index
      %get3A_135 = tpu.vector_load %arg9[%get3A_133, %get3A_134] {strides = array<i32>} : memref<16x16xf32, #tpu.memory_space<vmem>>, vector<16xf32>,
      %get3A_136 = arith.constant 9 : i32
      %get3A_137 = arith.index_cast %get3A_136 : i32 to index
      %get3A_138 = arith.constant 0 : index
      %get3A_139 = tpu.vector_load %arg10[%get3A_137, %get3A_138] {strides = array<i32>} : memref<16x16xi32, #tpu.memory_space<vmem>>, vector<16xi32>,
      %gt3A_140 = arith.cmpf ogt, %get3A_135, %select_n3A_131 : vector<16xf32>
      %eq3A_141 = arith.cmpf oeq, %get3A_135, %select_n3A_131 : vector<16xf32>
      %lt3A_142 = arith.cmpi slt, %get3A_139, %select_n3A_130 : vector<16xi32>
      %and3A_143 = arith.andi %eq3A_141, %lt3A_142 : vector<16xi1>
      %or3A_144 = arith.ori %gt3A_140, %and3A_143 : vector<16xi1>
      %select_n3A_145 = arith.select %or3A_144, %get3A_139, %select_n3A_130 : vector<16xi1>, vector<16xi32>
      %select_n3A_146 = arith.select %or3A_144, %get3A_135, %select_n3A_131 : vector<16xi1>, vector<16xf32>
      %get3A_147 = arith.constant 10 : i32
      %get3A_148 = arith.index_cast %get3A_147 : i32 to index
      %get3A_149 = arith.constant 0 : index
      %get3A_150 = tpu.vector_load %arg9[%get3A_148, %get3A_149] {strides = array<i32>} : memref<16x16xf32, #tpu.memory_space<vmem>>, vector<16xf32>,
      %get3A_151 = arith.constant 10 : i32
      %get3A_152 = arith.index_cast %get3A_151 : i32 to index
      %get3A_153 = arith.constant 0 : index
      %get3A_154 = tpu.vector_load %arg10[%get3A_152, %get3A_153] {strides = array<i32>} : memref<16x16xi32, #tpu.memory_space<vmem>>, vector<16xi32>,
      %gt3A_155 = arith.cmpf ogt, %get3A_150, %select_n3A_146 : vector<16xf32>
      %eq3A_156 = arith.cmpf oeq, %get3A_150, %select_n3A_146 : vector<16xf32>
      %lt3A_157 = arith.cmpi slt, %get3A_154, %select_n3A_145 : vector<16xi32>
      %and3A_158 = arith.andi %eq3A_156, %lt3A_157 : vector<16xi1>
      %or3A_159 = arith.ori %gt3A_155, %and3A_158 : vector<16xi1>
      %select_n3A_160 = arith.select %or3A_159, %get3A_154, %select_n3A_145 : vector<16xi1>, vector<16xi32>
      %select_n3A_161 = arith.select %or3A_159, %get3A_150, %select_n3A_146 : vector<16xi1>, vector<16xf32>
      %get3A_162 = arith.constant 11 : i32
      %get3A_163 = arith.index_cast %get3A_162 : i32 to index
      %get3A_164 = arith.constant 0 : index
      %get3A_165 = tpu.vector_load %arg9[%get3A_163, %get3A_164] {strides = array<i32>} : memref<16x16xf32, #tpu.memory_space<vmem>>, vector<16xf32>,
      %get3A_166 = arith.constant 11 : i32
      %get3A_167 = arith.index_cast %get3A_166 : i32 to index
      %get3A_168 = arith.constant 0 : index
      %get3A_169 = tpu.vector_load %arg10[%get3A_167, %get3A_168] {strides = array<i32>} : memref<16x16xi32, #tpu.memory_space<vmem>>, vector<16xi32>,
      %gt3A_170 = arith.cmpf ogt, %get3A_165, %select_n3A_161 : vector<16xf32>
      %eq3A_171 = arith.cmpf oeq, %get3A_165, %select_n3A_161 : vector<16xf32>
      %lt3A_172 = arith.cmpi slt, %get3A_169, %select_n3A_160 : vector<16xi32>
      %and3A_173 = arith.andi %eq3A_171, %lt3A_172 : vector<16xi1>
      %or3A_174 = arith.ori %gt3A_170, %and3A_173 : vector<16xi1>
      %select_n3A_175 = arith.select %or3A_174, %get3A_169, %select_n3A_160 : vector<16xi1>, vector<16xi32>
      %select_n3A_176 = arith.select %or3A_174, %get3A_165, %select_n3A_161 : vector<16xi1>, vector<16xf32>
      %get3A_177 = arith.constant 12 : i32
      %get3A_178 = arith.index_cast %get3A_177 : i32 to index
      %get3A_179 = arith.constant 0 : index
      %get3A_180 = tpu.vector_load %arg9[%get3A_178, %get3A_179] {strides = array<i32>} : memref<16x16xf32, #tpu.memory_space<vmem>>, vector<16xf32>,
      %get3A_181 = arith.constant 12 : i32
      %get3A_182 = arith.index_cast %get3A_181 : i32 to index
      %get3A_183 = arith.constant 0 : index
      %get3A_184 = tpu.vector_load %arg10[%get3A_182, %get3A_183] {strides = array<i32>} : memref<16x16xi32, #tpu.memory_space<vmem>>, vector<16xi32>,
      %gt3A_185 = arith.cmpf ogt, %get3A_180, %select_n3A_176 : vector<16xf32>
      %eq3A_186 = arith.cmpf oeq, %get3A_180, %select_n3A_176 : vector<16xf32>
      %lt3A_187 = arith.cmpi slt, %get3A_184, %select_n3A_175 : vector<16xi32>
      %and3A_188 = arith.andi %eq3A_186, %lt3A_187 : vector<16xi1>
      %or3A_189 = arith.ori %gt3A_185, %and3A_188 : vector<16xi1>
      %select_n3A_190 = arith.select %or3A_189, %get3A_184, %select_n3A_175 : vector<16xi1>, vector<16xi32>
      %select_n3A_191 = arith.select %or3A_189, %get3A_180, %select_n3A_176 : vector<16xi1>, vector<16xf32>
      %get3A_192 = arith.constant 13 : i32
      %get3A_193 = arith.index_cast %get3A_192 : i32 to index
      %get3A_194 = arith.constant 0 : index
      %get3A_195 = tpu.vector_load %arg9[%get3A_193, %get3A_194] {strides = array<i32>} : memref<16x16xf32, #tpu.memory_space<vmem>>, vector<16xf32>,
      %get3A_196 = arith.constant 13 : i32
      %get3A_197 = arith.index_cast %get3A_196 : i32 to index
      %get3A_198 = arith.constant 0 : index
      %get3A_199 = tpu.vector_load %arg10[%get3A_197, %get3A_198] {strides = array<i32>} : memref<16x16xi32, #tpu.memory_space<vmem>>, vector<16xi32>,
      %gt3A_200 = arith.cmpf ogt, %get3A_195, %select_n3A_191 : vector<16xf32>
      %eq3A_201 = arith.cmpf oeq, %get3A_195, %select_n3A_191 : vector<16xf32>
      %lt3A_202 = arith.cmpi slt, %get3A_199, %select_n3A_190 : vector<16xi32>
      %and3A_203 = arith.andi %eq3A_201, %lt3A_202 : vector<16xi1>
      %or3A_204 = arith.ori %gt3A_200, %and3A_203 : vector<16xi1>
      %select_n3A_205 = arith.select %or3A_204, %get3A_199, %select_n3A_190 : vector<16xi1>, vector<16xi32>
      %select_n3A_206 = arith.select %or3A_204, %get3A_195, %select_n3A_191 : vector<16xi1>, vector<16xf32>
      %get3A_207 = arith.constant 14 : i32
      %get3A_208 = arith.index_cast %get3A_207 : i32 to index
      %get3A_209 = arith.constant 0 : index
      %get3A_210 = tpu.vector_load %arg9[%get3A_208, %get3A_209] {strides = array<i32>} : memref<16x16xf32, #tpu.memory_space<vmem>>, vector<16xf32>,
      %get3A_211 = arith.constant 14 : i32
      %get3A_212 = arith.index_cast %get3A_211 : i32 to index
      %get3A_213 = arith.constant 0 : index
      %get3A_214 = tpu.vector_load %arg10[%get3A_212, %get3A_213] {strides = array<i32>} : memref<16x16xi32, #tpu.memory_space<vmem>>, vector<16xi32>,
      %gt3A_215 = arith.cmpf ogt, %get3A_210, %select_n3A_206 : vector<16xf32>
      %eq3A_216 = arith.cmpf oeq, %get3A_210, %select_n3A_206 : vector<16xf32>
      %lt3A_217 = arith.cmpi slt, %get3A_214, %select_n3A_205 : vector<16xi32>
      %and3A_218 = arith.andi %eq3A_216, %lt3A_217 : vector<16xi1>
      %or3A_219 = arith.ori %gt3A_215, %and3A_218 : vector<16xi1>
      %select_n3A_220 = arith.select %or3A_219, %get3A_214, %select_n3A_205 : vector<16xi1>, vector<16xi32>
      %select_n3A_221 = arith.select %or3A_219, %get3A_210, %select_n3A_206 : vector<16xi1>, vector<16xf32>
      %get3A_222 = arith.constant 15 : i32
      %get3A_223 = arith.index_cast %get3A_222 : i32 to index
      %get3A_224 = arith.constant 0 : index
      %get3A_225 = tpu.vector_load %arg9[%get3A_223, %get3A_224] {strides = array<i32>} : memref<16x16xf32, #tpu.memory_space<vmem>>, vector<16xf32>,
      %get3A_226 = arith.constant 15 : i32
      %get3A_227 = arith.index_cast %get3A_226 : i32 to index
      %get3A_228 = arith.constant 0 : index
      %get3A_229 = tpu.vector_load %arg10[%get3A_227, %get3A_228] {strides = array<i32>} : memref<16x16xi32, #tpu.memory_space<vmem>>, vector<16xi32>,
      %gt3A_230 = arith.cmpf ogt, %get3A_225, %select_n3A_221 : vector<16xf32>
      %eq3A_231 = arith.cmpf oeq, %get3A_225, %select_n3A_221 : vector<16xf32>
      %lt3A_232 = arith.cmpi slt, %get3A_229, %select_n3A_220 : vector<16xi32>
      %and3A_233 = arith.andi %eq3A_231, %lt3A_232 : vector<16xi1>
      %or3A_234 = arith.ori %gt3A_230, %and3A_233 : vector<16xi1>
      %select_n3A_235 = arith.select %or3A_234, %get3A_229, %select_n3A_220 : vector<16xi1>, vector<16xi32>
      %select_n3A_236 = arith.select %or3A_234, %get3A_225, %select_n3A_221 : vector<16xi1>, vector<16xf32>
      %swap3A = arith.constant 0 : index
      %swap3A_237 = tpu.vector_load %arg5[%swap3A] {strides = array<i32>} : memref<16xf32, #tpu.memory_space<vmem>>, vector<16xf32>,
      tpu.vector_store %arg5[%swap3A], %select_n3A_236 {strides = array<i32>} : memref<16xf32, #tpu.memory_space<vmem>>, vector<16xf32>,
      %swap3A_238 = arith.constant 0 : index
      %swap3A_239 = tpu.vector_load %arg6[%swap3A_238] {strides = array<i32>} : memref<16xi32, #tpu.memory_space<vmem>>, vector<16xi32>,
      tpu.vector_store %arg6[%swap3A_238], %select_n3A_235 {strides = array<i32>} : memref<16xi32, #tpu.memory_space<vmem>>, vector<16xi32>,
      %get3A_240 = arith.constant 0 : index
      %get3A_241 = tpu.vector_load %arg5[%get3A_240] {strides = array<i32>} : memref<16xf32, #tpu.memory_space<vmem>>, vector<16xf32>,
      %reduce_max3A = arith.constant true
      %reduce_max3A_242 = vector.broadcast %reduce_max3A : i1 to vector<16xi1>
      %reduce_max3A_243 = tpu.scan <max>, %get3A_241 masked %reduce_max3A_242 : vector<16xf32>, vector<16xi1> -> vector<16xf32>
      %reduce_max3A_244 = vector.extract %reduce_max3A_243[15] : f32 from vector<16xf32>
      %get3A_245 = arith.constant 0 : index
      %get3A_246 = tpu.vector_load %arg5[%get3A_245] {strides = array<i32>} : memref<16xf32, #tpu.memory_space<vmem>>, vector<16xf32>,
      %eq3A_247 = vector.broadcast %reduce_max3A_244 : f32 to vector<16xf32>
      %eq3A_248 = arith.cmpf oeq, %get3A_246, %eq3A_247 : vector<16xf32>
      %get3A_249 = arith.constant 0 : index
      %get3A_250 = tpu.vector_load %arg6[%get3A_249] {strides = array<i32>} : memref<16xi32, #tpu.memory_space<vmem>>, vector<16xi32>,
      %jit3A = arith.constant 16384 : i32
      %broadcast_in_dim3A = vector.broadcast %jit3A : i32 to vector<16xi32>
      %select_n3A_251 = arith.select %eq3A_248, %get3A_250, %broadcast_in_dim3A : vector<16xi1>, vector<16xi32>
      %reduce_min3A = arith.constant true
      %reduce_min3A_252 = vector.broadcast %reduce_min3A : i1 to vector<16xi1>
      %reduce_min3A_253 = arith.constant -2147483648 : i32
      %reduce_min3A_254 = vector.broadcast %reduce_min3A_253 : i32 to vector<16xi32>
      %reduce_min3A_255 = arith.xori %select_n3A_251, %reduce_min3A_254 : vector<16xi32>
      %reduce_min3A_256 = tpu.scan <min>, %reduce_min3A_255 masked %reduce_min3A_252 : vector<16xi32>, vector<16xi1> -> vector<16xi32>
      %reduce_min3A_257 = arith.xori %reduce_min3A_256, %reduce_min3A_254 : vector<16xi32>
      %reduce_min3A_258 = vector.extract %reduce_min3A_257[15] : i32 from vector<16xi32>
      %min3A = arith.constant 63 : i32
      %min3A_259 = arith.minsi %reduce_min3A_258, %min3A : i32
      %jit3A_260 = arith.constant 8 : i32
      %div3A = arith.divsi %min3A_259, %jit3A_260 : i32
      %sign3A = arith.constant 0 : i32
      %sign3A_261 = arith.cmpi sgt, %min3A_259, %sign3A : i32
      %sign3A_262 = arith.extui %sign3A_261 : i1 to i32
      %sign3A_263 = arith.constant 0 : i32
      %sign3A_264 = arith.cmpi slt, %min3A_259, %sign3A_263 : i32
      %sign3A_265 = arith.extui %sign3A_264 : i1 to i32
      %sign3A_266 = arith.subi %sign3A_262, %sign3A_265 : i32
      %sign3A_267 = arith.constant 0 : i32
      %sign3A_268 = arith.cmpi sgt, %jit3A_260, %sign3A_267 : i32
      %sign3A_269 = arith.extui %sign3A_268 : i1 to i32
      %sign3A_270 = arith.constant 0 : i32
      %sign3A_271 = arith.cmpi slt, %jit3A_260, %sign3A_270 : i32
      %sign3A_272 = arith.extui %sign3A_271 : i1 to i32
      %sign3A_273 = arith.subi %sign3A_269, %sign3A_272 : i32
      %ne3A = arith.cmpi ne, %sign3A_266, %sign3A_273 : i32
      %rem3A = arith.remsi %min3A_259, %jit3A_260 : i32
      %ne3A_274 = arith.constant 0 : i32
      %ne3A_275 = arith.cmpi ne, %rem3A, %ne3A_274 : i32
      %and3A_276 = arith.andi %ne3A, %ne3A_275 : i1
      %sub3A = arith.constant 1 : i32
      %sub3A_277 = arith.subi %div3A, %sub3A : i32
      %select_n3A_278 = arith.select %and3A_276, %sub3A_277, %div3A : i32
      %broadcast_in_dim3A_279 = arith.constant 0 : i32
      %broadcast_in_dim3A_280 = vector.broadcast %broadcast_in_dim3A_279 : i32 to vector<16xi32>
      %add3A = vector.broadcast %select_n3A_278 : i32 to vector<16xi32>
      %add3A_281 = arith.addi %broadcast_in_dim3A_280, %add3A : vector<16xi32>
      %swap3A_282 = arith.constant 0 : index
      %swap3A_283 = tpu.vector_load %arg11[%swap3A_282] {strides = array<i32>} : memref<16xi32, #tpu.memory_space<vmem>>, vector<16xi32>,
      tpu.vector_store %arg11[%swap3A_282], %add3A_281 {strides = array<i32>} : memref<16xi32, #tpu.memory_space<vmem>>, vector<16xi32>,
      "tpu.region"() ({
        %run_scoped3A = tpu.sem_alloc : memref<!tpu.dma_semaphore, #tpu.memory_space<semaphore_mem>>
        tpu.enqueue_dma source(%arg11 : memref<16xi32, #tpu.memory_space<vmem>>) target(%arg3 : memref<16xi32, #tpu.memory_space<hbm>>) target_semaphore(%run_scoped3A : memref<!tpu.dma_semaphore, #tpu.memory_space<semaphore_mem>>)
        tpu.wait_dma2 semaphore(%run_scoped3A : memref<!tpu.dma_semaphore, #tpu.memory_space<semaphore_mem>>) src(%arg11 : memref<16xi32, #tpu.memory_space<vmem>>) dst(%arg3 : memref<16xi32, #tpu.memory_space<hbm>>)
        tpu.yield
      }) : () -> ()
    } else {
    }
    return
  }
}

module attributes {stable_mosaic.version = 14 : i64} {
  func.func @_expert_body(%arg0: i32, %arg1: memref<16xi32, #tpu.memory_space<smem>>, %arg2: memref<1024x768xf32, #tpu.memory_space<vmem>>, %arg3: memref<1x768x768xf32, #tpu.memory_space<vmem>>, %arg4: memref<1024x768xf32, #tpu.memory_space<vmem>>) attributes {dimension_semantics = [#tpu.dimension_semantics<arbitrary>], iteration_bounds = array<i64: 2>, scalar_prefetch = 1 : i64, scratch_operands = 0 : i64, tpu.core_type = #tpu.core_type<tc>, window_params = [{transform_indices = @transform_0, window_bounds = array<i64: 1024, 768>}, {transform_indices = @transform_1, window_bounds = array<i64: 1, 768, 768>}, {transform_indices = @transform_2, window_bounds = array<i64: 1024, 768>}]} {
    %get3A = arith.constant 0 : index
    %get3A_0 = arith.constant 0 : index
    %get3A_1 = vector.load %arg2[%get3A, %get3A_0] : memref<1024x768xf32, #tpu.memory_space<vmem>>, vector<1024x768xf32>
    %get3A_2 = arith.constant 0 : index
    %get3A_3 = arith.constant 0 : index
    %get3A_4 = arith.constant 0 : index
    %get3A_5 = vector.load %arg3[%get3A_2, %get3A_3, %get3A_4] : memref<1x768x768xf32, #tpu.memory_space<vmem>>, vector<1x768x768xf32>
    %get3A_6 = vector.shape_cast %get3A_5 : vector<1x768x768xf32> to vector<768x768xf32>
    %dot_general3A = arith.constant dense<0.000000e+00> : vector<1024x768xf32>
    %dot_general3A_7 = tpu.matmul %get3A_1, %get3A_6, %dot_general3A {dimension_numbers = #tpu.dot_dimension_numbers<[1], [0], [0], [1], [0, 0, 1, 1], [], []>, transpose_lhs_hint = false} : vector<1024x768xf32>, vector<768x768xf32>, vector<1024x768xf32> -> vector<1024x768xf32>
    %swap3A = arith.constant 0 : index
    %swap3A_8 = arith.constant 0 : index
    %swap3A_9 = vector.load %arg4[%swap3A, %swap3A_8] : memref<1024x768xf32, #tpu.memory_space<vmem>>, vector<1024x768xf32>
    tpu.vector_store %arg4[%swap3A, %swap3A_8], %dot_general3A_7 {strides = array<i32>} : memref<1024x768xf32, #tpu.memory_space<vmem>>, vector<1024x768xf32>,
    return
  }
  func.func @transform_0(%arg0: i32, %arg1: memref<16xi32, #tpu.memory_space<smem>>) -> (i32, i32) {
    %c0_i32 = arith.constant 0 : i32
    %c0_i32_0 = arith.constant 0 : i32
    return %arg0, %c0_i32 : i32, i32
  }
  func.func @transform_1(%arg0: i32, %arg1: memref<16xi32, #tpu.memory_space<smem>>) -> (i32, i32, i32) {
    %get3A = arith.constant 0 : index
    %get3A_0 = memref.load %arg1[%get3A] : memref<16xi32, #tpu.memory_space<smem>>
    %c0_i32 = arith.constant 0 : i32
    %c0_i32_1 = arith.constant 0 : i32
    %c0_i32_2 = arith.constant 0 : i32
    return %get3A_0, %c0_i32, %c0_i32_1 : i32, i32, i32
  }
  func.func @transform_2(%arg0: i32, %arg1: memref<16xi32, #tpu.memory_space<smem>>) -> (i32, i32) {
    %c0_i32 = arith.constant 0 : i32
    %c0_i32_0 = arith.constant 0 : i32
    return %arg0, %c0_i32 : i32, i32
  }
}

module attributes {stable_mosaic.version = 14 : i64} {
  func.func @_pred_body(%arg0: i32, %arg1: memref<8x768xf32, #tpu.memory_space<vmem>>, %arg2: memref<1024x768xf32, #tpu.memory_space<vmem>>, %arg3: memref<8x1024xf32, #tpu.memory_space<vmem>>) attributes {dimension_semantics = [#tpu.dimension_semantics<arbitrary>], iteration_bounds = array<i64: 2>, scalar_prefetch = 0 : i64, scratch_operands = 0 : i64, tpu.core_type = #tpu.core_type<tc>, window_params = [{pipeline_mode = #tpu.pipeline_mode<synchronous>, transform_indices = @transform_0, window_bounds = array<i64: 8, 768>}, {transform_indices = @transform_1, window_bounds = array<i64: 1024, 768>}, {transform_indices = @transform_2, window_bounds = array<i64: 8, 1024>}]} {
    %get3A = arith.constant 0 : index
    %get3A_0 = arith.constant 0 : index
    %get3A_1 = vector.load %arg1[%get3A, %get3A_0] : memref<8x768xf32, #tpu.memory_space<vmem>>, vector<8x768xf32>
    %get3A_2 = arith.constant 0 : index
    %get3A_3 = arith.constant 0 : index
    %get3A_4 = vector.load %arg2[%get3A_2, %get3A_3] : memref<1024x768xf32, #tpu.memory_space<vmem>>, vector<1024x768xf32>
    %dot_general3A = arith.constant dense<0.000000e+00> : vector<8x1024xf32>
    %dot_general3A_5 = tpu.matmul %get3A_1, %get3A_4, %dot_general3A {dimension_numbers = #tpu.dot_dimension_numbers<[1], [1], [0], [0], [0, 0, 1, 0], [], []>, transpose_lhs_hint = false} : vector<8x768xf32>, vector<1024x768xf32>, vector<8x1024xf32> -> vector<8x1024xf32>
    %swap3A = arith.constant 0 : index
    %swap3A_6 = arith.constant 0 : index
    %swap3A_7 = vector.load %arg3[%swap3A, %swap3A_6] : memref<8x1024xf32, #tpu.memory_space<vmem>>, vector<8x1024xf32>
    tpu.vector_store %arg3[%swap3A, %swap3A_6], %dot_general3A_5 {strides = array<i32>} : memref<8x1024xf32, #tpu.memory_space<vmem>>, vector<8x1024xf32>,
    return
  }
  func.func @transform_0(%arg0: i32) -> (i32, i32) {
    %c0_i32 = arith.constant 0 : i32
    %c0_i32_0 = arith.constant 0 : i32
    %c0_i32_1 = arith.constant 0 : i32
    return %c0_i32, %c0_i32_0 : i32, i32
  }
  func.func @transform_1(%arg0: i32) -> (i32, i32) {
    %c0_i32 = arith.constant 0 : i32
    %c0_i32_0 = arith.constant 0 : i32
    return %arg0, %c0_i32 : i32, i32
  }
  func.func @transform_2(%arg0: i32) -> (i32, i32) {
    %c0_i32 = arith.constant 0 : i32
    %c0_i32_0 = arith.constant 0 : i32
    return %c0_i32, %arg0 : i32, i32
  }
}

</mosaic_0001>

<sc_bundles>
// kernel: kernel.5.cloned.1.call-start
scs
__scs_entry_jumppad:
0x0: {  	(pc) =	sbr.rel $0x88, $3  }
0x1: {  	(tag) =	ssettag $0x0;
	lr =	simm.s32 $0x1  }
0x2: {  	[smem:$0x3F9D] =	sst lr;
	_ =	strace $0xD0000000  }
0x3: {  	_ = 	snop  }
0x4: {  	_ = 	snop  }
0x5: {  	_ = 	snop  }
0x6: {  	_ = 	snop  }
0x7: {  	_ = 	snop  }
__scs_overlays_trampoline_lowered:
0x8: {  	[smem:$0x3FAC] =	sst s0  }
0x9: {  	[smem:$0x3FAD] =	sst s1  }
0xa: {  	[smem:$0x3FAE] =	sst s2  }
0xb: {  	[smem:$0x3FAF] =	sst s3  }
0xc: {  	[smem:$0x3FB0] =	sst s4  }
0xd: {  	[smem:$0x3FB1] =	sst s5  }
0xe: {  	[smem:$0x3FB2] =	sst s6  }
0xf: {  	[smem:$0x3FB3] =	sst s7  }
0x10: {  	[smem:$0x3FB4] =	sst s8  }
0x11: {  	[smem:$0x3FB5] =	sst s9;
	s0 =	simm.s32 @!p0 $0x0  }
0x12: {  	s1 =	sld [smem:$0x3F9B];
	s0 =	simm.s32 @p0 $0x1  }
0x13: {  	[smem:$0x3FB6] =	sst s0;
	s0 =	simm.s32 @!p1 $0x0  }
0x14: {  	s2 =	sld [smem:$0x3F9A];
	s0 =	simm.s32 @p1 $0x1  }
0x15: {  	[smem:$0x3FB7] =	sst s0;
	s0 =	simm.s32 @!p2 $0x0  }
0x16: {  	s3 =	sld [smem:$0x3FDB];
	s0 =	simm.s32 @p2 $0x1  }
0x17: {  	s4 =	simm.s32 $0x1BF5;
	[smem:$0x3FB9] =	sst s0  }
0x18: {  	s0 =	sld [smem:$0x3F9C];
	_ =	swait.ge [sflag:s4], $0x0  }
0x19: {  	s7 =	sld [smem:$0x3F9D]  }
0x1a: {  	s8 =	sadd.s32 $0xFFFFE003, lr  }
0x1b: {  	s9 =	sadd.s32 $0xFFFFFEF7, lr;
	s5 =	simm.s32 $0xFFFFFFFF;
	p2 =	slt.u32 s8, $0xFFFFF086  }
0x1c: {  	p1 =	slt.u32 s9, $0xF7A;
	s5 =	simm.s32 @!p2 $0x0  }
0x1d: {  	s5 =	simm.s32 @p1 $0x1;
	p0 =	seq.s32 s7, s2  }
0x1e: {  	s7 =	smul.u32 @!p0 $0xF7A, s2;
	p2 =	seq.s32 @!p0 s5, $0x0  }
0x1f: {  	s9 =	smul.u32 $0xF7A, s1;
	s8 =	simm.s32 @!p0 $0x1BF5;
	p2 =	por !p2, p0  }
0x20: {  	[sflag:s8] =	ssyncset.s32 @!p0 $0xFFFFF086;
	s6 =	sadd.s32 @!p0 s3, s7;
	s7 =	simm.s32 @!p0 $0x108  }
0x21: {  	s3 =	sadd.s32 s3, s9;
	s6 =	sadd.s32 @!p0 $0x88, s6;
	s7 =	simm.s32 @p2 $0x1082  }
0x22: {  	[simem:s7], [sflag:s8] =	dma.local @!p0 [hbm:s6], $0xF7A  }
0x23: {  	s9 =	sor.u32 $0xD0000000, s2;
	s6 =	simm.s32 $0x108;
	_ =	swait.ge @!p0 [sflag:s8], $0x0  }
0x24: {  	s3 =	sadd.s32 $0x88, s3;
	s6 =	simm.s32 @!p1 $0x1082;
	[sflag:s4] =	ssyncset.s32 $0xFFFFF086  }
0x25: {  	[simem:s6], [sflag:s4] =	dma.local [hbm:s3], $0xF7A  }
0x26: {  	[smem:$0x3F9D] =	sst s1;
	(tag) =	ssettag s2;
	_ =	strace s9  }
0x27: {  	s1 =	sld [smem:$0x3FAD]  }
0x28: {  	s2 =	sld [smem:$0x3FAE]  }
0x29: {  	s4 =	sld [smem:$0x3FB0]  }
0x2a: {  	p0 =	seq.s32 s5, $0x0;
	s5 =	sld [smem:$0x3FB1]  }
0x2b: {  	s6 =	sld [smem:$0x3FB2]  }
0x2c: {  	s7 =	sld [smem:$0x3FB3]  }
0x2d: {  	s3 =	simm.s32 $0x108;
	s8 =	sld [smem:$0x3FB4]  }
0x2e: {  	s3 =	simm.s32 @!p0 $0x1082;
	s9 =	sld [smem:$0x3FB5]  }
0x2f: {  	lr =	sadd.s32 s0, s3;
	s0 =	sld [smem:$0x3FAC]  }
0x30: {  	s3 =	sld [smem:$0x3FAF]  }
0x31: {  	[smem:$0x3FB8] =	sst s10  }
0x32: {  	s10 =	sld [smem:$0x3FB6];
	_ =	sdelay $0x3  }
0x33: {  	p0 =	seq.s32 s10, $0x1;
	s10 =	sld [smem:$0x3FB8];
	_ =	sdelay $0x3  }
0x34: {  	[smem:$0x3FB8] =	sst s10  }
0x35: {  	s10 =	sld [smem:$0x3FB7];
	_ =	sdelay $0x3  }
0x36: {  	p1 =	seq.s32 s10, $0x1;
	s10 =	sld [smem:$0x3FB8];
	_ =	sdelay $0x3  }
0x37: {  	[smem:$0x3FB8] =	sst s10  }
0x38: {  	s10 =	sld [smem:$0x3FB9]  }
0x39: {  	_ = 	snop;
	(pc) =	sbr.ind lr, $3  }
0x3a: {  	_ = 	snop  }
0x3b: {  	_ = 	snop  }
0x3c: {  	p2 =	seq.s32 s10, $0x1;
	s10 =	sld [smem:$0x3FB8]  }
0x3d: {  	_ =	shalt  }
0x3e: {  	_ =	shalt  }
0x3f: {  	_ =	shalt  }
0x40: {  	_ =	shalt  }
0x41: {  	_ =	shalt  }
0x42: {  	_ =	shalt  }
0x43: {  	_ =	shalt  }
0x44: {  	_ =	shalt  }
0x45: {  	_ =	shalt  }
0x46: {  	_ =	shalt  }
0x47: {  	_ =	shalt  }
0x48: {  	_ =	shalt  }
0x49: {  	_ =	shalt  }
0x4a: {  	_ =	shalt  }
0x4b: {  	_ =	shalt  }
0x4c: {  	_ =	shalt  }
0x4d: {  	_ =	shalt  }
0x4e: {  	_ =	shalt  }
0x4f: {  	_ =	shalt  }
0x50: {  	_ =	shalt  }
0x51: {  	_ =	shalt  }
0x52: {  	_ =	shalt  }
0x53: {  	_ =	shalt  }
0x54: {  	_ =	shalt  }
0x55: {  	_ =	shalt  }
0x56: {  	_ =	shalt  }
0x57: {  	_ =	shalt  }
0x58: {  	_ =	shalt  }
0x59: {  	_ =	shalt  }
0x5a: {  	_ =	shalt  }
0x5b: {  	_ =	shalt  }
0x5c: {  	_ =	shalt  }
0x5d: {  	_ =	shalt  }
0x5e: {  	_ =	shalt  }
0x5f: {  	_ =	shalt  }
0x60: {  	_ =	shalt  }
0x61: {  	_ =	shalt  }
0x62: {  	_ =	shalt  }
0x63: {  	_ =	shalt  }
0x64: {  	_ =	shalt  }
0x65: {  	_ =	shalt  }
0x66: {  	_ =	shalt  }
0x67: {  	_ =	shalt  }
0x68: {  	_ =	shalt  }
0x69: {  	_ =	shalt  }
0x6a: {  	_ =	shalt  }
0x6b: {  	_ =	shalt  }
0x6c: {  	_ =	shalt  }
0x6d: {  	_ =	shalt  }
0x6e: {  	_ =	shalt  }
0x6f: {  	_ =	shalt  }
0x70: {  	_ =	shalt  }
0x71: {  	_ =	shalt  }
0x72: {  	_ =	shalt  }
0x73: {  	_ =	shalt  }
0x74: {  	_ =	shalt  }
0x75: {  	_ =	shalt  }
0x76: {  	_ =	shalt  }
0x77: {  	_ =	shalt  }
0x78: {  	_ =	shalt  }
0x79: {  	_ =	shalt  }
0x7a: {  	_ =	shalt  }
0x7b: {  	_ =	shalt  }
0x7c: {  	_ =	shalt  }
0x7d: {  	_ =	shalt  }
0x7e: {  	_ =	shalt  }
0x7f: {  	_ =	shalt  }
0x80: {  	_ =	shalt  }
0x81: {  	_ =	shalt  }
0x82: {  	_ =	shalt  }
0x83: {  	_ =	shalt  }
0x84: {  	_ =	shalt  }
0x85: {  	_ =	shalt  }
0x86: {  	_ =	shalt  }
0x87: {  	_ =	shalt  }
.Lfunc_end0:
.L_simem_size_0:
called_computation_lowered:
.L_overlay_start_0:
0x88: {  	s2 =	sld [smem:$0x3FD9]  }
0x89: {  	s3 =	sld [smem:$0x3FFE];
	_ =	sdelay $0x1  }
0x8a: {  	s1 =	srdreg.scid  }
0x8b: {  	s0 =	sand.u32 $0x1, s1  }
0x8c: {  	s17 =	sshll.u32 s0, $0xA;
	s2 =	sadd.s32 s3, s2  }
0x8d: {  	s2 =	sadd.s32 s2, s17  }
0x8e: {  	[smem:$0x3FC4] =	sst s2  }
0x8f: {  	_ = 	snop  }
0x90: {  	s2 =	sld [smem:$0x3FD0];
	(tm) =	ssettm $0x1  }
0x91: {  	s18 =	sld [smem:$0x3FFB];
	_ =	sdelay $0x3  }
0x92: {  	_ =	strace s18  }
0x93: {  	s3 =	sld [smem:$0x3FFC];
	_ =	sdelay $0x3  }
0x94: {  	_ =	strace s3  }
0x95: {  	s3 =	sld [smem:$0x3FFD];
	_ =	sdelay $0x3  }
0x96: {  	_ =	strace s3  }
0x97: {  	_ =	strace $0x8FFFFFFF  }
0x98: {  	s19 =	sld [smem:$0x3FDB];
	_ =	sdelay $0x1  }
0x99: {  	s4 =	simm.s32 $_scs_section_size  }
0x9a: {  	s5 =	simm.s32 $_size__tile_overlayer_lowered;
	s6 =	simm.s32 $_tile_overlayer_lowered  }
0x9b: {  	s22 =	simm.s32 $0x1BFF;
	s21 =	sshll.u32 s6, $0x1;
	s3 =	sadd.s32 s4, s19  }
0x9c: {  	s7 =	simm.s32 $0x0;
	s20 =	sshll.u32 s5, $0x1;
	s5 =	sadd.s32 s21, s3  }
0x9d: {  	[timem:s7], [sflag:s22] =	dma.local [hbm:s5], s20  }
0x9e: {  	_ =	swait.ge [sflag:s22], s20  }
0x9f: {  	s4 =	ssub.s32 $0x0, s20;
	[sflag:s22] =	ssyncset.done $0x0  }
0xa0: {  	[sflag:s22] =	ssyncadd.s32 s4;
	_ =	sdelay $0x1  }
0xa1: {  	s23 =	simm.s32 $0x1B8B  }
0xa2: {  	_ =	swait.ge [sflag:s23], $0x1  }
0xa3: {  	[sflag:s23] =	ssyncset.done $0x0  }
0xa4: {  	s25 =	simm.s32 $0x1B8E;
	s24 =	sld [smem:$0x3FFE];
	[sflag:s23] =	ssyncadd.s32 $0xFFFFFFFF  }
0xa5: {  	s26 =	simm.s32 $execute0_lowered;
	[smem:$0x3FD2] =	sst s25  }
0xa6: {  	s5 =	sshll.u32 s26, $0x1;
	_ =	strace $0x80000046;
	[dreg:$0x1] =	wrdreg $0xFFFFFFFF  }
0xa7: {  	s28 =	simm.s32 $_size_execute0_lowered;
	s3 =	sadd.s32 s3, s5;
	[dreg:$0x0] =	wrdreg $0x0  }
0xa8: {  	s5 =	sshll.u32 s28, $0x1;
	[dreg:$0x2] =	wrdreg s3  }
0xa9: {  	[dreg:$0x3] =	wrdreg s5  }
0xaa: {  	[dreg:$0x4] =	wrdreg $0xC0  }
0xab: {  	_ =	task [dreg:s7], $0x5FFFF  }
0xac: {  	[dreg:$0x1] =	wrdreg $0xFFFFFFFF  }
0xad: {  	[dreg:$0x0] =	wrdreg $0x60  }
0xae: {  	[dreg:$0x2] =	wrdreg s2  }
0xaf: {  	[dreg:$0x3] =	wrdreg s24  }
0xb0: {  	[dreg:$0x4] =	wrdreg $0x5000  }
0xb1: {  	[dreg:$0x5] =	wrdreg $0x5100  }
0xb2: {  	[dreg:$0x6] =	wrdreg $0x9  }
0xb3: {  	_ =	task.clear_ibuf [dreg:s7], $0x7FFFF;
	_ =	strace $0x90000046  }
0xb4: {  	s29 =	simm.s32 $0x9;
	_ =	strace $0x80000048  }
0xb5: {  	_ =	swait.ge [sflag:s29], $0x1  }
0xb6: {  	[sflag:s29] =	ssyncadd.s32 $0xFFFFFFFF  }
0xb7: {  	_ =	strace $0x90000048  }
0xb8: {  	_ =	sfence  }
0xb9: {  	s30 =	sld [smem:$0x0];
	_ =	sdelay $0x2  }
0xba: {  	s31 =	sshll.u32 s1, $0xD;
	s1 =	sshrl.u32 s1, $0x2  }
0xbb: {  	s3 =	sand.u32 $0x4000, s31;
	s1 =	sadd.s32 s1, s30  }
0xbc: {  	s0 =	sor.u32 s3, s0;
	s1 =	sshll.u32 s1, $0x11  }
0xbd: {  	s0 =	sor.u32 s1, s0  }
0xbe: {  	s0 =	sadd.s32 $0x8F2B, s0  }
0xbf: {  	[sflag:s0] =	ssyncadd.remote.s32 $0x1  }
0xc0: {  	_ =	sfence.sel $0xFFFF  }
0xc1: {  	[dreg:$0x0] =	wrdreg $0xFFFFFFFF;
	(pc) =	sbr.abs _section_cstart, $3  }
0xc2: {  	[dreg:$0x1] =	wrdreg $0xFFFFFFFF  }
0xc3: {  	_ =	task.clear_ibuf [dreg:s7], $0x2FFFF;
	_ =	strace $0x9FFFFFFF  }
0xc4: {  	(tm) =	ssettm $0x7FFFFFFF  }
0xc5: {  	_ =	shalt  }
tec
execute0_lowered:
.L_overlay_start_1:
0x0: {  	(tag) =	ssettag $0x1  }
0x1: {  	s7 =	rddreg [dreg:$0x0]  }
0x2: {  	s5 =	rddreg [dreg:$0x1]  }
0x3: {  	s1 =	rddreg [dreg:$0x2]  }
0x4: {  	s2 =	rddreg [dreg:$0x3]  }
0x5: {  	s0 =	rddreg [dreg:$0x4];
	s3 =	simm.s32 $0x0;
	s4 =	srdreg.scid  }
0x6: {  	s12 =	simm.s32 $0x400;
	s13 =	simm.s32 $0x1;
	s16 =	simm.s32 $0xD20  }
0x7: {  	s17 =	simm.s32 $0x1520;
	s18 =	simm.s32 $0x0;
	[smem:$0x7FF] =	sst s3  }
0x8: {  	s11 =	sand.u32 $0x1, s4;
	s4 =	stileid.u32;
	s5 =	sadd.s32 $0xE00, s5  }
0x9: {  	_ =	strace $0x80000047;
	s6 =	ssub.s32 $0x2, s11;
	s14 =	sshrl.u32 s4, $0x1  }
0xa: {  	s30 =	sshll.u32 s4, $0xA;
	s9 =	sshll.u32 s4, $0x7;
	s15 =	sor.u32 s4, s11  }
.Ltmp0:
0xb: {  	p0 =	sne.s32 s11, $0x0;
	s11 =	simm.s32 $0x80;
	(pc) =	sbr.rel .LBB2_1-.Ltmp0, $4  }
0xc: {  	s8 =	sshrl.u32 s6, $0x1;
	s31 =	sshll.u32 s14, $0x4;
	v0 =	vmov s14;
	s14 =	simm.s32 $0x480  }
0xd: {  	p1 =	sne.s32 s15, $0x0;
	s15 =	simm.s32 $0x520;
	s10 =	ssub.s32 s6, s8  }
0xe: {  	v3 =	vlaneseq.u32;
	s6 =	sand.u32 $0x400, s30;
	s7 =	sadd.s32 s7, s31;
	s8 =	sadd.s32 s9, s1  }
0xf: {  	v1 =	vimm.f32 $-Inf;
	v2 =	vimm.s32 $0x0;
	v3 =	vmul.u32 $0x8, v3;
	s9 =	sadd.s32 s9, s2;
	s7 =	sadd.s32 s6, s7;
	s10 =	smax.u32 s10, $0x1  }
.LBB2_4:
0x10: {  	v5 =	vld [tilespmem:s21+$0x0]  }
0x11: {  	v6 =	vld [tilespmem:$0x480];
	s19 =	sadd.s32 $0x10, s19  }
0x12: {  	v7 =	vmov s19  }
0x13: {  	v7 =	vshll.u32 v7, $0x3  }
0x14: {  	v7 =	vor.u32 v3, v7  }
0x15: {  	v7 =	vor.u32 v0, v7;
	vm0 =	vgt.f32 v5, v4  }
0x16: {  	v6 =	vsel vm0, v7, v6  }
0x17: {  	v4 =	vsel vm0, v5, v4;
	[tilespmem:$0x480] =	vst v6  }
0x18: {  	[tilespmem:$0x400] =	vst v4  }
0x19: {  	[spmem:s8] =	stream.linear.scatter [tilespmem:s12], [sflag:$0x1], $0x80, $0x38;
	[tilespmem:$0x15A0] =	vst v63  }
0x1a: {  	_ =	swait.ge [sflag:s13], $0x80  }
0x1b: {  	[sflag:s13] =	ssyncset.done $0x0  }
0x1c: {  	[sflag:s13] =	ssyncadd.s32 $0xFFFFFF80  }
0x1d: {  	[spmem:s9] =	stream.linear.scatter [tilespmem:s14], [sflag:$0x1], $0x80, $0x38;
	[tilespmem:$0x15A0] =	vst v63  }
0x1e: {  	_ =	swait.ge [sflag:s13], $0x80  }
0x1f: {  	[sflag:s13] =	ssyncset.done $0x0  }
0x20: {  	[sflag:s13] =	ssyncadd.s32 $0xFFFFFF80  }
.LBB2_5:
.Ltmp1:
0x21: {  	(pc) =	sbr.rel @!p1 .LBB2_6-.Ltmp1, $2  }
0x22: {  	_ =	sdelay $0x1  }
0x23: {  	[bflag:$0x0] =	sbarrier.arrive $0xFFFF;
	_ =	sdelay $0x1  }
.LBB2_7:
0x24: {  	s18 =	sadd.s32 $0x1, s18  }
0x25: {  	p2 =	sne.s32 s18, s10  }
.Ltmp2:
0x26: {  	_ = 	snop;
	(pc) =	sbr.rel @!p2 .LBB2_8-.Ltmp2, $1  }
0x27: {  	_ =	sdelay $0x3  }
.LBB2_1:
.Ltmp3:
0x28: {  	(pc) =	sbr.rel @p0 .LBB2_5-.Ltmp3, $1  }
0x29: {  	_ =	sdelay $0x3  }
0x2a: {  	s19 =	simm.s32 $0x0  }
0x2b: {  	[tilespmem:s19], [sflag:$0x1] =	stream.strided.gather [hbm4b:s7+s11], $0x400, s12, s11, $0x38;
	[tilespmem:$0x15A0] =	vst v63  }
0x2c: {  	_ =	swait.ge [sflag:s13], $0x400  }
0x2d: {  	[sflag:s13] =	ssyncset.done $0x0  }
0x2e: {  	[sflag:s13] =	ssyncadd.s32 $0xFFFFFC00  }
0x2f: {  	[tilespmem:$0x400] =	vst v1  }
0x30: {  	s31 =	simm.s32 $0x0;
	[tilespmem:$0x480] =	vst v2;
	v4 =	vld [tilespmem:$0x400]  }
0x31: {  	v5 =	vld [tilespmem:s31+$0x0];
	_ =	sdelay $0x1  }
0x32: {  	v6 =	vld [tilespmem:$0x480]  }
0x33: {  	v7 =	vmov s6  }
0x34: {  	v7 =	vshll.u32 v7, $0x3  }
0x35: {  	v7 =	vor.u32 v3, v7;
	vm0 =	vgt.f32 v5, v4  }
0x36: {  	v7 =	vor.u32 v0, v7;
	v4 =	vsel vm0, v5, v4  }
0x37: {  	v5 =	vsel vm0, v7, v6;
	[tilespmem:$0x400] =	vst v4  }
0x38: {  	s21 =	simm.s32 $0x10;
	s20 =	simm.s32 $0x80;
	s19 =	smov.u32 s6;
	[tilespmem:$0x480] =	vst v5;
	v4 =	vld [tilespmem:$0x400]  }
.LBB2_3:
0x39: {  	p2 =	sne.s32 s20, $0xFC0;
	v5 =	vld [tilespmem:s21+$0x0]  }
0x3a: {  	s19 =	sadd.s32 $0x10, s19;
	v6 =	vld [tilespmem:$0x480]  }
0x3b: {  	v7 =	vmov s19  }
0x3c: {  	v7 =	vshll.u32 v7, $0x3  }
0x3d: {  	v7 =	vor.u32 v3, v7  }
.Ltmp4:
0x3e: {  	v7 =	vor.u32 v0, v7;
	vm0 =	vgt.f32 v5, v4;
	(pc) =	sbr.rel @p2 .LBB2_3-.Ltmp4, $4  }
0x3f: {  	v6 =	vsel vm0, v7, v6;
	v4 =	vsel vm0, v5, v4  }
0x40: {  	[tilespmem:$0x480] =	vst v6  }
0x41: {  	[tilespmem:$0x400] =	vst v4  }
0x42: {  	s21 =	sshra.s32 s20, $0x2;
	s20 =	sadd.s32 $0x40, s20;
	v4 =	vld [tilespmem:$0x400]  }
.Ltmp5:
0x43: {  	_ = 	snop;
	(pc) =	sbr.rel .LBB2_4-.Ltmp5, $1  }
0x44: {  	_ =	sdelay $0x3  }
.LBB2_6:
0x45: {  	[tilespmem:s15], [sflag:$0x1] =	stream.linear.gather [spmem:s1], $0x800, $0x38;
	[tilespmem:$0x15A0] =	vst v63  }
0x46: {  	_ =	swait.ge [sflag:s13], $0x800  }
0x47: {  	[sflag:s13] =	ssyncset.done $0x0  }
0x48: {  	[sflag:s13] =	ssyncadd.s32 $0xFFFFF800  }
0x49: {  	[tilespmem:s16], [sflag:$0x1] =	stream.linear.gather [spmem:s2], $0x800, $0x38;
	[tilespmem:$0x15A0] =	vst v63  }
0x4a: {  	_ =	swait.ge [sflag:s13], $0x800  }
0x4b: {  	[sflag:s13] =	ssyncset.done $0x0  }
0x4c: {  	[sflag:s13] =	ssyncadd.s32 $0xFFFFF800  }
0x4d: {  	v4 =	vld [tilespmem:$0x520]  }
0x4e: {  	v5 =	vld [tilespmem:$0xD20]  }
0x4f: {  	v6 =	vld [tilespmem:$0x5A0]  }
0x50: {  	v7 =	vld [tilespmem:$0xDA0];
	_ =	sdelay $0x2  }
0x51: {  	v8 =	vld [tilespmem:$0x620]  }
0x52: {  	v9 =	vld [tilespmem:$0xE20]  }
0x53: {  	vm0 =	veq.f32 v6, v4;
	vm1 =	vlt.s32 v7, v5  }
0x54: {  	vm11 =	vgt.f32 v6, v4;
	vm0 =	vmand vm0, vm1  }
0x55: {  	v10 =	vld [tilespmem:$0x6A0];
	vm0 =	vmor vm11, vm0  }
0x56: {  	v38 =	vld [tilespmem:$0xEA0];
	v5 =	vsel vm0, v7, v5;
	v4 =	vsel vm0, v6, v4  }
0x57: {  	vm0 =	veq.f32 v8, v4;
	vm12 =	vlt.s32 v9, v5  }
0x58: {  	vm13 =	vgt.f32 v8, v4;
	vm0 =	vmand vm0, vm12  }
0x59: {  	v39 =	vld [tilespmem:$0x720];
	vm0 =	vmor vm13, vm0  }
0x5a: {  	v40 =	vld [tilespmem:$0xF20];
	v5 =	vsel vm0, v9, v5;
	v4 =	vsel vm0, v8, v4  }
0x5b: {  	vm0 =	veq.f32 v10, v4;
	vm14 =	vlt.s32 v38, v5  }
0x5c: {  	vm15 =	vgt.f32 v10, v4;
	vm0 =	vmand vm0, vm14  }
0x5d: {  	v41 =	vld [tilespmem:$0x7A0];
	vm0 =	vmor vm15, vm0  }
0x5e: {  	v42 =	vld [tilespmem:$0xFA0];
	v5 =	vsel vm0, v38, v5;
	v4 =	vsel vm0, v10, v4  }
0x5f: {  	vm0 =	veq.f32 v39, v4;
	vm4 =	vlt.s32 v40, v5  }
0x60: {  	vm5 =	vgt.f32 v39, v4;
	vm0 =	vmand vm0, vm4  }
0x61: {  	v43 =	vld [tilespmem:$0x820];
	vm0 =	vmor vm5, vm0  }
0x62: {  	v44 =	vld [tilespmem:$0x1020];
	v5 =	vsel vm0, v40, v5;
	v4 =	vsel vm0, v39, v4  }
0x63: {  	vm0 =	veq.f32 v41, v4;
	vm6 =	vlt.s32 v42, v5  }
0x64: {  	vm7 =	vgt.f32 v41, v4;
	vm0 =	vmand vm0, vm6  }
0x65: {  	v45 =	vld [tilespmem:$0x8A0];
	vm0 =	vmor vm7, vm0  }
0x66: {  	v46 =	vld [tilespmem:$0x10A0];
	v5 =	vsel vm0, v42, v5;
	v4 =	vsel vm0, v41, v4  }
0x67: {  	vm0 =	veq.f32 v43, v4;
	vm8 =	vlt.s32 v44, v5  }
0x68: {  	vm9 =	vgt.f32 v43, v4;
	vm0 =	vmand vm0, vm8  }
0x69: {  	v47 =	vld [tilespmem:$0x920];
	vm0 =	vmor vm9, vm0  }
0x6a: {  	v48 =	vld [tilespmem:$0x1120];
	v5 =	vsel vm0, v44, v5;
	v4 =	vsel vm0, v43, v4  }
0x6b: {  	vm0 =	veq.f32 v45, v4;
	vm10 =	vlt.s32 v46, v5  }
0x6c: {  	vm11 =	vgt.f32 v45, v4;
	vm0 =	vmand vm0, vm10  }
0x6d: {  	v49 =	vld [tilespmem:$0x9A0];
	vm0 =	vmor vm11, vm0  }
0x6e: {  	v50 =	vld [tilespmem:$0x11A0];
	v5 =	vsel vm0, v46, v5;
	v4 =	vsel vm0, v45, v4  }
0x6f: {  	vm0 =	veq.f32 v47, v4;
	vm12 =	vlt.s32 v48, v5  }
0x70: {  	vm13 =	vgt.f32 v47, v4;
	vm0 =	vmand vm0, vm12  }
0x71: {  	v51 =	vld [tilespmem:$0xA20];
	vm0 =	vmor vm13, vm0  }
0x72: {  	v52 =	vld [tilespmem:$0x1220];
	v5 =	vsel vm0, v48, v5;
	v4 =	vsel vm0, v47, v4  }
0x73: {  	vm0 =	veq.f32 v49, v4;
	vm14 =	vlt.s32 v50, v5  }
0x74: {  	vm15 =	vgt.f32 v49, v4;
	vm0 =	vmand vm0, vm14  }
0x75: {  	v53 =	vld [tilespmem:$0xAA0];
	vm0 =	vmor vm15, vm0  }
0x76: {  	v54 =	vld [tilespmem:$0x12A0];
	v5 =	vsel vm0, v50, v5;
	v4 =	vsel vm0, v49, v4  }
0x77: {  	vm0 =	veq.f32 v51, v4;
	vm4 =	vlt.s32 v52, v5  }
0x78: {  	vm5 =	vgt.f32 v51, v4;
	vm0 =	vmand vm0, vm4  }
0x79: {  	v55 =	vld [tilespmem:$0xB20];
	vm0 =	vmor vm5, vm0  }
0x7a: {  	v56 =	vld [tilespmem:$0x1320];
	v5 =	vsel vm0, v52, v5;
	v4 =	vsel vm0, v51, v4  }
0x7b: {  	vm0 =	veq.f32 v53, v4;
	vm6 =	vlt.s32 v54, v5  }
0x7c: {  	vm7 =	vgt.f32 v53, v4;
	vm0 =	vmand vm0, vm6  }
0x7d: {  	v57 =	vld [tilespmem:$0xBA0];
	vm0 =	vmor vm7, vm0  }
0x7e: {  	v58 =	vld [tilespmem:$0x13A0];
	v5 =	vsel vm0, v54, v5;
	v4 =	vsel vm0, v53, v4  }
0x7f: {  	vm0 =	veq.f32 v55, v4;
	vm8 =	vlt.s32 v56, v5  }
0x80: {  	vm9 =	vgt.f32 v55, v4;
	vm0 =	vmand vm0, vm8  }
0x81: {  	v59 =	vld [tilespmem:$0xC20];
	vm0 =	vmor vm9, vm0  }
0x82: {  	v60 =	vld [tilespmem:$0x1420];
	v5 =	vsel vm0, v56, v5;
	v4 =	vsel vm0, v55, v4  }
0x83: {  	vm0 =	veq.f32 v57, v4;
	vm10 =	vlt.s32 v58, v5  }
0x84: {  	vm11 =	vgt.f32 v57, v4;
	vm0 =	vmand vm0, vm10  }
0x85: {  	v61 =	vld [tilespmem:$0xCA0];
	vm0 =	vmor vm11, vm0  }
0x86: {  	v62 =	vld [tilespmem:$0x14A0];
	v5 =	vsel vm0, v58, v5;
	v4 =	vsel vm0, v57, v4  }
0x87: {  	vm0 =	veq.f32 v59, v4;
	vm12 =	vlt.s32 v60, v5  }
0x88: {  	vm13 =	vgt.f32 v59, v4;
	vm0 =	vmand vm0, vm12  }
0x89: {  	vm0 =	vmor vm13, vm0  }
0x8a: {  	v5 =	vsel vm0, v60, v5;
	v4 =	vsel vm0, v59, v4  }
0x8b: {  	vm0 =	veq.f32 v61, v4;
	vm14 =	vlt.s32 v62, v5  }
0x8c: {  	vm2 =	vgt.f32 v61, v4;
	vm0 =	vmand vm0, vm14  }
0x8d: {  	vm0 =	vmor vm2, vm0  }
0x8e: {  	v4 =	vsel vm0, v61, v4  }
0x8f: {  	[tilespmem:$0x400] =	vst v4  }
0x90: {  	v4 =	vld [tilespmem:$0x400];
	_ =	sdelay $0x4  }
0x91: {  	(xrf0) =	vmax.scan.msk.f32 $0xffff, v4;
	_ =	sdelay $0x5  }
0x92: {  	v63, _, _ =	vpop (xrf0)  }
0x93: {  	v7 =	vbroadcast v63, $0xF  }
0x94: {  	v5 =	vsel vm0, v62, v5  }
0x95: {  	vm15 =	veq.f32 v4, v7;
	v4 =	vxor.u32 $0x80000000, v5  }
0x96: {  	v4 =	vnsel vm15, $0x80004000, v4  }
0x97: {  	(xrf0) =	vmin.scan.msk.u32 $0xffff, v4;
	_ =	sdelay $0x5  }
0x98: {  	v4, _, _ =	vpop (xrf0)  }
0x99: {  	(v2sf) =	vpush v4, $0xF;
	_ =	sdelay $0xe  }
0x9a: {  	s19 =	spop (v2sf)  }
0x9b: {  	s20 =	sxor.u32 $0x80000000, s19  }
0x9c: {  	p2 =	slt.s32 s20, $0x3F  }
0x9d: {  	p3 =	slt.s32 s20, $0x1;
	s20 =	simm.s32 @!p2 $0x3F  }
0x9e: {  	p5 =	sgt.s32 s19, $0xFFFFFFFF;
	s30 =	sand.u32 $0x7, s20  }
0x9f: {  	p2 =	por p5, p3;
	s21 =	sshra.s32 s20, $0x1F;
	p6 =	sne.s32 s30, $0x0  }
0xa0: {  	s31 =	sshrl.u32 s21, $0x1D;
	p2 =	por !p2, !p6  }
0xa1: {  	s19 =	sadd.s32 s31, s20;
	s20 =	simm.s32 $0x1;
	p2 =	por !p2, !p2  }
0xa2: {  	s19 =	sshra.s32 s19, $0x3;
	s20 =	simm.s32 @!p2 $0x0  }
0xa3: {  	s19 =	ssub.s32 s19, s20  }
0xa4: {  	[tilespmem:$0x480] =	vst v5;
	v4 =	vmov s19  }
.Ltmp6:
0xa5: {  	[tilespmem:$0x1520] =	vst v4;
	(pc) =	sbr.rel .LBB2_7-.Ltmp6, $4  }
0xa6: {  	[hbm4b:s5+s3] =	stream.linear.scatter [tilespmem:s17], [sflag:$0x1], $0x80, $0x38;
	[tilespmem:$0x15A0] =	vst v63  }
0xa7: {  	_ =	swait.ge [sflag:s13], $0x80  }
0xa8: {  	[sflag:s13] =	ssyncset.done $0x0  }
0xa9: {  	[sflag:s13] =	ssyncadd.s32 $0xFFFFFF80  }
.LBB2_8:
0xaa: {  	_ =	sfence.sel $0x180000  }
0xab: {  	[bflag:$0x0] =	sbarrier.arrive $0xFFFF  }
0xac: {  	p0 =	sne.s32 s4, $0x0;
	_ =	strace $0x90000047  }
0xad: {  	s0 =	sadd.s32 @!p0 $0x100000, s0;
	[bflag:$0x2] =	sbarrier.arrive $0xFFFF  }
0xae: {  	[sflag:s0] =	ssyncadd.tile.s32 @!p0 $0x1;
	_ =	shalt  }
.Lfunc_end2:
_tile_overlayer_lowered:
.L_overlay_start_2:
0xaf: {  	(tag) =	ssettag $0x2  }
0xb0: {  	s0 =	rddreg [dreg:$0x0];
	s2 =	stileid.u32  }
0xb1: {  	s1 =	rddreg [dreg:$0x1];
	p0 =	sne.s32 s2, $0x0  }
0xb2: {  	s3 =	rddreg [dreg:$0x2];
	[bflag:$0x3] =	sbarrier.arrive $0xFFFF;
	s2 =	simm.s32 @!p0 $0x1C01  }
0xb3: {  	[timem:s3], [sflag:s2] =	dma.local @!p0 [hbm:s0], s1  }
0xb4: {  	s0 =	simm.s32 @!p0 $0x1  }
0xb5: {  	_ =	swait.ge @!p0 [sflag:s0], s1  }
0xb6: {  	s1 =	ssub.s32 @!p0 $0x0, s1;
	[sflag:s0] =	ssyncset.done @!p0 $0x0  }
0xb7: {  	[sflag:s0] =	ssyncadd.s32 @!p0 s1  }
0xb8: {  	[bflag:$0x3] =	sbarrier.arrive $0xFFFF  }
0xb9: {  	_ =	shalt  }

</sc_bundles>
